<compile_context>
chip_gen: v7x
topology: tpu7x:2x2x1
jax: 0.10.2.dev20260603
libtpu: 0.0.44.dev20260713+nightly
codegen_flags: <defaults>
</compile_context>

<pallas_src>
import functools

import numpy as np
import jax
import jax.numpy as jnp
from jax import lax
from jax.experimental import pallas as pl
from jax.experimental.pallas import tpu as pltpu
from jax.experimental.pallas import tpu_sc as plsc

N = 10000
E = 320000
G = 64
H = 128
C = 10
EPS = 1e-5

NC = 2
NS = 16
NW = NC * NS
HS = H // NC
CHD = 128
EPT = E // NW
NCHUNKD = 80
EPTP = NCHUNKD * CHD
CH = 160
NCHUNK = 128
EPTA = NCHUNK * CH
NBUF = 4
NGROUP = NCHUNK // NBUF
NP = 10112
RPW = NP // NS

R = 1000
NBLK = N // R


@functools.cache
def _make_agg():
    mesh = plsc.VectorSubcoreMesh(core_axis_name="c", subcore_axis_name="s")

    def body(xs_hbm, src_hbm, dst_hbm, zrow_hbm,
             acc_out, src_v, dst_v, rows_v, acc_sh, *sems):
        gsems = sems[:NBUF]
        ssems = sems[NBUF:]
        cid = lax.axis_index("c")
        sid = lax.axis_index("s")
        pltpu.sync_copy(src_hbm.at[sid], src_v)
        pltpu.sync_copy(dst_hbm.at[sid], dst_v)
        row0 = sid * RPW
        pltpu.sync_copy(zrow_hbm, acc_sh.at[pl.ds(row0, RPW)])
        plsc.subcore_barrier()
        table = xs_hbm.at[cid]

        def gather(ch, b):
            pltpu.async_copy(table.at[src_v.at[ch]], rows_v.at[b], gsems[b])

        for b in range(NBUF):
            gather(b, b)

        def group(g, carry):
            for b in range(NBUF):
                ch = g * NBUF + b
                pltpu.make_async_copy(
                    table.at[src_v.at[ch]], rows_v.at[b], gsems[b]).wait()
                pltpu.async_copy(
                    rows_v.at[b], acc_sh.at[dst_v.at[ch]], ssems[b], add=True)
                nxt = ch + NBUF

                @pl.when(nxt < NCHUNK)
                def _():
                    pltpu.make_async_copy(
                        rows_v.at[b], acc_sh.at[dst_v.at[ch]], ssems[b]).wait()
                    gather(nxt, b)
            return carry

        lax.fori_loop(0, NGROUP, group, 0)
        for b in range(NBUF):
            pltpu.make_async_copy(
                rows_v.at[b], acc_sh.at[dst_v.at[0]], ssems[b]).wait()
        plsc.subcore_barrier()
        pltpu.sync_copy(acc_sh.at[pl.ds(row0, RPW)],
                        acc_out.at[cid].at[pl.ds(row0, RPW)])

    return pl.kernel(
        body, mesh=mesh,
        out_type=[jax.ShapeDtypeStruct((NC, NP, HS), jnp.float32)],
        compiler_params=pltpu.CompilerParams(use_tc_tiling_on_sc=False),
        scratch_types=[
            pltpu.VMEM((NCHUNK, CH), jnp.int32),
            pltpu.VMEM((NCHUNK, CH), jnp.int32),
            pltpu.VMEM((NBUF, CH, HS), jnp.float32),
            pltpu.VMEM_SHARED((NP, HS), jnp.float32),
        ] + [pltpu.SemaphoreType.DMA] * (2 * NBUF))


@functools.cache
def _make_deg():
    mesh = plsc.VectorSubcoreMesh(core_axis_name="c", subcore_axis_name="s")

    def body(dst_hbm, zdeg_hbm, ones_hbm,
             deg_out, dst_v, ones_v, deg_sh):
        cid = lax.axis_index("c")
        sid = lax.axis_index("s")
        tg = cid * NS + sid
        pltpu.sync_copy(dst_hbm.at[tg], dst_v)
        row0 = sid * RPW
        pltpu.sync_copy(zdeg_hbm, deg_sh.at[pl.ds(row0, RPW)])
        pltpu.sync_copy(ones_hbm, ones_v)
        plsc.subcore_barrier()

        def chunk(j, carry):
            pltpu.sync_copy(ones_v, deg_sh.at[dst_v.at[j]], add=True)
            return carry

        lax.fori_loop(0, NCHUNKD, chunk, 0)
        plsc.subcore_barrier()
        pltpu.sync_copy(deg_sh.at[pl.ds(row0, RPW)],
                        deg_out.at[cid].at[pl.ds(row0, RPW)])

    return pl.kernel(
        body, mesh=mesh,
        out_type=[jax.ShapeDtypeStruct((NC, NP, 8), jnp.float32)],
        compiler_params=pltpu.CompilerParams(use_tc_tiling_on_sc=False),
        scratch_types=[
            pltpu.VMEM((NCHUNKD, CHD), jnp.int32),
            pltpu.VMEM((CHD, 8), jnp.float32),
            pltpu.VMEM_SHARED((NP, 8), jnp.float32),
        ])


def _dense_body(acc_ref, deg_ref, x_ref, wn_ref, wr_ref, c_ref, out_ref):
    d = deg_ref[0, :, 0:1] + deg_ref[1, :, 0:1]
    s = jnp.concatenate([acc_ref[0, :, :], acc_ref[1, :, :]], axis=1)
    xc = jnp.concatenate([x_ref[0, :, :], x_ref[1, :, :]], axis=1)
    mean = s / jnp.maximum(d, 1.0)
    y = (jnp.dot(mean, wn_ref[...], preferred_element_type=jnp.float32)
         + jnp.dot(xc, wr_ref[...], preferred_element_type=jnp.float32)
         + c_ref[...])
    y = jnp.maximum(y, 0.0)
    out_ref[0, :, :] = y[:, :HS]
    out_ref[1, :, :] = y[:, HS:]


def _dense(acc, deg, x, wn, wr, c):
    return pl.pallas_call(
        _dense_body,
        grid=(NBLK,),
        in_specs=[
            pl.BlockSpec((NC, R, HS), lambda i: (0, i, 0)),
            pl.BlockSpec((NC, R, 8), lambda i: (0, i, 0)),
            pl.BlockSpec((NC, R, HS), lambda i: (0, i, 0)),
            pl.BlockSpec((H, H), lambda i: (0, 0)),
            pl.BlockSpec((H, H), lambda i: (0, 0)),
            pl.BlockSpec((1, H), lambda i: (0, 0)),
        ],
        out_specs=pl.BlockSpec((NC, R, HS), lambda i: (0, i, 0)),
        out_shape=jax.ShapeDtypeStruct((NC, N, HS), jnp.float32),
    )(acc, deg, x, wn, wr, c)


def _final_body(x_ref, batch_ref,
                w1_ref, b1_ref, w2_ref, b2_ref, out_ref, pooled_s, cnt_s):
    i = pl.program_id(0)
    feats = jnp.concatenate([x_ref[0, :, :], x_ref[1, :, :]], axis=1)
    b = batch_ref[...]
    gid = lax.broadcasted_iota(jnp.int32, (1, G), 1)
    onehot = (b == gid).astype(jnp.float32)

    @pl.when(i == 0)
    def _():
        pooled_s[...] = jnp.zeros_like(pooled_s)
        cnt_s[...] = jnp.zeros_like(cnt_s)

    dn = (((0,), (0,)), ((), ()))
    pooled_s[...] += lax.dot_general(onehot, feats, dn,
                                     preferred_element_type=jnp.float32)
    cnt_s[...] += lax.dot_general(onehot, jnp.ones((R, H), jnp.float32), dn,
                                  preferred_element_type=jnp.float32)

    @pl.when(i == NBLK - 1)
    def _():
        pooled = pooled_s[...] / jnp.maximum(cnt_s[...], 1.0)
        h = jnp.maximum(
            jnp.dot(pooled, w1_ref[...], preferred_element_type=jnp.float32)
            + b1_ref[...], 0.0)
        out_ref[...] = (jnp.dot(h, w2_ref[...],
                                preferred_element_type=jnp.float32)
                        + b2_ref[...])


def _final(x, batch2, w1, b1, w2, b2):
    return pl.pallas_call(
        _final_body,
        grid=(NBLK,),
        in_specs=[
            pl.BlockSpec((NC, R, HS), lambda i: (0, i, 0)),
            pl.BlockSpec((R, 1), lambda i: (i, 0)),
            pl.BlockSpec((H, H), lambda i: (0, 0)),
            pl.BlockSpec((1, H), lambda i: (0, 0)),
            pl.BlockSpec((H, C), lambda i: (0, 0)),
            pl.BlockSpec((1, C), lambda i: (0, 0)),
        ],
        out_specs=pl.BlockSpec((G, C), lambda i: (0, 0)),
        out_shape=jax.ShapeDtypeStruct((G, C), jnp.float32),
        scratch_shapes=[
            pltpu.VMEM((G, H), jnp.float32),
            pltpu.VMEM((G, H), jnp.float32),
        ],
    )(x, batch2, w1, b1, w2, b2)


def kernel(x, params, edge_index, batch):
    pada = EPTA - 2 * EPT
    src3 = jnp.pad(edge_index[0].reshape(NS, 2 * EPT),
                   ((0, 0), (0, pada))).reshape(NS, NCHUNK, CH)
    dst3 = jnp.pad(edge_index[1].reshape(NS, 2 * EPT),
                   ((0, 0), (0, pada)), constant_values=N).reshape(NS, NCHUNK, CH)
    dst3d = jnp.pad(edge_index[1].reshape(NW, EPT),
                    ((0, 0), (0, EPTP - EPT)),
                    constant_values=N).reshape(NW, NCHUNKD, CHD)
    batch2 = batch.reshape(N, 1)
    xs = x.reshape(N, NC, HS).transpose(1, 0, 2)
    zrow = jnp.zeros((RPW, HS), jnp.float32)
    zdeg = jnp.zeros((RPW, 8), jnp.float32)
    ones8 = jnp.ones((CHD, 8), jnp.float32)
    gscale = np.float32(1.0 / np.sqrt(1.0 + EPS))

    wns, wrs, cs = [], [], []
    for lp in params["layers"]:
        g = lp["gamma"] * gscale
        wns.append(lp["Wn"] * g[None, :])
        wrs.append(lp["Wr"] * g[None, :])
        cs.append((lp["bn"] * g + lp["beta"])[None, :])
    wns = jnp.stack(wns)
    wrs = jnp.stack(wrs)
    cs = jnp.stack(cs)

    deg = _make_deg()(dst3d, zdeg, ones8)
    if isinstance(deg, (list, tuple)):
        deg = deg[0]

    def step(feats, ws):
        wn2, wr2, c2 = ws
        acc = _make_agg()(feats, src3, dst3, zrow)
        if isinstance(acc, (list, tuple)):
            acc = acc[0]
        return _dense(acc, deg, feats, wn2, wr2, c2), None

    feats, _ = lax.scan(step, xs, (wns, wrs, cs))
    hd = params["head"]
    return _final(feats, batch2,
                  hd["W1"], hd["b1"][None], hd["W2"], hd["b2"][None])

# --- scband reference (transcript-rebuilt; emitter-appended) ---
"""Pipeline reference for scband-stacked-graph-model-90245852823845 (READ-ONLY COPY).

The authoritative reference and input builder live on the scoring server;
editing this copy changes nothing except your own understanding.
"""

import jax, jax.numpy as jnp
import numpy as np

N = 10000
E = 320000
G = 64
F_IN = 128
H = 128
C = 10
L = 4
EPS = 1e-5


def _init_params(key):
    params = {"layers": [], "head": {}}
    in_c = F_IN
    k = key
    for _ in range(L):
        k, k1, k2 = jax.random.split(k, 3)
        s = 1.0 / np.sqrt(in_c)
        layer = {
            "Wn": jax.random.uniform(k1, (in_c, H), jnp.float32, -s, s),
            "bn": jnp.zeros((H,), jnp.float32),
            "Wr": jax.random.uniform(k2, (in_c, H), jnp.float32, -s, s),
            "gamma": jnp.ones((H,), jnp.float32),
            "beta": jnp.zeros((H,), jnp.float32),
        }
        params["layers"].append(layer)
        in_c = H
    k, k1, k2 = jax.random.split(k, 3)
    s = 1.0 / np.sqrt(H)
    params["head"] = {
        "W1": jax.random.uniform(k1, (H, H), jnp.float32, -s, s),
        "b1": jnp.zeros((H,), jnp.float32),
        "W2": jax.random.uniform(k2, (H, C), jnp.float32, -s, s),
        "b2": jnp.zeros((C,), jnp.float32),
    }
    return params


def setup_inputs(seed: int = 0):
    key = jax.random.key(seed)
    kx, ke, kb, kp = jax.random.split(key, 4)
    x = jax.random.normal(kx, (N, F_IN), dtype=jnp.float32)
    edge_index = jax.random.randint(ke, (2, E), 0, N, dtype=jnp.int32)
    batch = jnp.sort(jax.random.randint(kb, (N,), 0, G, dtype=jnp.int32))
    params = _init_params(kp)
    return {"x": x, "params": params, "edge_index": edge_index, "batch": batch}


def _conv(x, src, dst, lp):
    # GraphConv-style: linear(mean-aggregated neighbor features) + root linear
    msg = jnp.take(x, src, axis=0)
    agg = jax.ops.segment_sum(msg, dst, num_segments=N)
    deg = jax.ops.segment_sum(jnp.ones((src.shape[0],), x.dtype), dst, num_segments=N)
    mean = agg / jnp.clip(deg, 1.0)[:, None]
    return mean @ lp["Wn"] + lp["bn"] + x @ lp["Wr"]


def _forward(x, params, edge_index, batch):
    src = edge_index[0]
    dst = edge_index[1]
    feats = x
    for lp in params["layers"]:
        out = _conv(feats, src, dst, lp)
        # BatchNorm1d in eval mode with fresh running stats (mean=0, var=1)
        out = (out / np.sqrt(1.0 + EPS)) * lp["gamma"] + lp["beta"]
        out = jax.nn.relu(out)
        # residual=False, dropout inactive in eval
        feats = out
    # global_mean_pool over batch assignment vector
    summed = jax.ops.segment_sum(feats, batch, num_segments=G)
    cnt = jax.ops.segment_sum(jnp.ones((N,), feats.dtype), batch, num_segments=G)
    pooled = summed / jnp.clip(cnt, 1.0)[:, None]
    h = jax.nn.relu(pooled @ params["head"]["W1"] + params["head"]["b1"])
    return h @ params["head"]["W2"] + params["head"]["b2"]


def reference(x, params, edge_index, batch):
    return _forward(x, params, edge_index, batch)

if __name__ == "__main__":
    import jax
    _d = setup_inputs()
    print(jax.jit(kernel)(*tuple(_d.values())))

</pallas_src>

<mosaic_0001>
#map = affine_map<(d0, d1) -> (0, 0, 0)>
#map1 = affine_map<(d0, d1) -> (0, 0)>
module attributes {stable_mosaic.version = 14 : i64} {
  func.func @body(%arg0: i32, %arg1: i32, %arg2: memref<2x10000x64xf32, #tpu.memory_space<hbm>>, %arg3: memref<16x128x160xi32, #tpu.memory_space<hbm>>, %arg4: memref<16x128x160xi32, #tpu.memory_space<hbm>>, %arg5: memref<632x64xf32, #tpu.memory_space<hbm>>, %arg6: memref<2x10112x64xf32, #tpu.memory_space<hbm>>, %arg7: memref<128x160xi32, #tpu.memory_space<vmem>>, %arg8: memref<128x160xi32, #tpu.memory_space<vmem>>, %arg9: memref<4x160x64xf32, #tpu.memory_space<vmem>>, %arg10: memref<10112x64xf32, #tpu.memory_space<vmem_shared>>, %arg11: memref<!tpu.dma_semaphore, #tpu.memory_space<semaphore_mem>>, %arg12: memref<!tpu.dma_semaphore, #tpu.memory_space<semaphore_mem>>, %arg13: memref<!tpu.dma_semaphore, #tpu.memory_space<semaphore_mem>>, %arg14: memref<!tpu.dma_semaphore, #tpu.memory_space<semaphore_mem>>, %arg15: memref<!tpu.dma_semaphore, #tpu.memory_space<semaphore_mem>>, %arg16: memref<!tpu.dma_semaphore, #tpu.memory_space<semaphore_mem>>, %arg17: memref<!tpu.dma_semaphore, #tpu.memory_space<semaphore_mem>>, %arg18: memref<!tpu.dma_semaphore, #tpu.memory_space<semaphore_mem>>) attributes {dimension_semantics = [#tpu.dimension_semantics<core_parallel>, #tpu.dimension_semantics<subcore_parallel>], iteration_bounds = array<i64: 2, 16>, scalar_prefetch = 0 : i64, scratch_operands = 12 : i64, tpu.core_type = #tpu.core_type<sc_vector_subcore>, window_params = [{transform_indices = #map}, {transform_indices = #map}, {transform_indices = #map}, {transform_indices = #map1}, {transform_indices = #map}]} {
    "tpu.region"() ({
      %run_scoped3A = tpu.sem_alloc : memref<!tpu.dma_semaphore, #tpu.memory_space<semaphore_mem>>
      %dma_start3A_117 = arith.constant 0 : i32
      %dma_start3A_118 = arith.constant 0 : i32
      %dma_start3A_119 = tpu.memref_slice %arg3[%arg1, %dma_start3A_117, %dma_start3A_118] : memref<16x128x160xi32, #tpu.memory_space<hbm>> -> memref<1x128x160xi32, #tpu.memory_space<hbm>>
      %dma_start3A_120 = tpu.memref_squeeze %dma_start3A_119 : memref<1x128x160xi32, #tpu.memory_space<hbm>> -> memref<128x160xi32, #tpu.memory_space<hbm>>
      %dma_start3A_121 = arith.constant 0 : i32
      %dma_start3A_122 = arith.constant 0 : i32
      %dma_start3A_123 = tpu.memref_slice %arg3[%arg1, %dma_start3A_121, %dma_start3A_122] : memref<16x128x160xi32, #tpu.memory_space<hbm>> -> memref<1x128x160xi32, #tpu.memory_space<hbm>>
      %dma_start3A_124 = tpu.memref_squeeze %dma_start3A_123 : memref<1x128x160xi32, #tpu.memory_space<hbm>> -> memref<128x160xi32, #tpu.memory_space<hbm>>
      tpu.enqueue_dma source(%dma_start3A_124 : memref<128x160xi32, #tpu.memory_space<hbm>>) target(%arg7 : memref<128x160xi32, #tpu.memory_space<vmem>>) target_semaphore(%run_scoped3A : memref<!tpu.dma_semaphore, #tpu.memory_space<semaphore_mem>>)
      %dma_wait3A_125 = arith.constant 0 : i32
      %dma_wait3A_126 = arith.constant 0 : i32
      %dma_wait3A_127 = tpu.memref_slice %arg3[%arg1, %dma_wait3A_125, %dma_wait3A_126] : memref<16x128x160xi32, #tpu.memory_space<hbm>> -> memref<1x128x160xi32, #tpu.memory_space<hbm>>
      %dma_wait3A_128 = tpu.memref_squeeze %dma_wait3A_127 : memref<1x128x160xi32, #tpu.memory_space<hbm>> -> memref<128x160xi32, #tpu.memory_space<hbm>>
      %dma_wait3A_129 = arith.constant 0 : i32
      %dma_wait3A_130 = arith.constant 0 : i32
      %dma_wait3A_131 = tpu.memref_slice %arg3[%arg1, %dma_wait3A_129, %dma_wait3A_130] : memref<16x128x160xi32, #tpu.memory_space<hbm>> -> memref<1x128x160xi32, #tpu.memory_space<hbm>>
      %dma_wait3A_132 = tpu.memref_squeeze %dma_wait3A_131 : memref<1x128x160xi32, #tpu.memory_space<hbm>> -> memref<128x160xi32, #tpu.memory_space<hbm>>
      tpu.wait_dma2 semaphore(%run_scoped3A : memref<!tpu.dma_semaphore, #tpu.memory_space<semaphore_mem>>) src(%dma_wait3A_132 : memref<128x160xi32, #tpu.memory_space<hbm>>) dst(%arg7 : memref<128x160xi32, #tpu.memory_space<vmem>>)
      tpu.yield
    }) : () -> ()
    "tpu.region"() ({
      %run_scoped3A = tpu.sem_alloc : memref<!tpu.dma_semaphore, #tpu.memory_space<semaphore_mem>>
      %dma_start3A_117 = arith.constant 0 : i32
      %dma_start3A_118 = arith.constant 0 : i32
      %dma_start3A_119 = tpu.memref_slice %arg4[%arg1, %dma_start3A_117, %dma_start3A_118] : memref<16x128x160xi32, #tpu.memory_space<hbm>> -> memref<1x128x160xi32, #tpu.memory_space<hbm>>
      %dma_start3A_120 = tpu.memref_squeeze %dma_start3A_119 : memref<1x128x160xi32, #tpu.memory_space<hbm>> -> memref<128x160xi32, #tpu.memory_space<hbm>>
      %dma_start3A_121 = arith.constant 0 : i32
      %dma_start3A_122 = arith.constant 0 : i32
      %dma_start3A_123 = tpu.memref_slice %arg4[%arg1, %dma_start3A_121, %dma_start3A_122] : memref<16x128x160xi32, #tpu.memory_space<hbm>> -> memref<1x128x160xi32, #tpu.memory_space<hbm>>
      %dma_start3A_124 = tpu.memref_squeeze %dma_start3A_123 : memref<1x128x160xi32, #tpu.memory_space<hbm>> -> memref<128x160xi32, #tpu.memory_space<hbm>>
      tpu.enqueue_dma source(%dma_start3A_124 : memref<128x160xi32, #tpu.memory_space<hbm>>) target(%arg8 : memref<128x160xi32, #tpu.memory_space<vmem>>) target_semaphore(%run_scoped3A : memref<!tpu.dma_semaphore, #tpu.memory_space<semaphore_mem>>)
      %dma_wait3A_125 = arith.constant 0 : i32
      %dma_wait3A_126 = arith.constant 0 : i32
      %dma_wait3A_127 = tpu.memref_slice %arg4[%arg1, %dma_wait3A_125, %dma_wait3A_126] : memref<16x128x160xi32, #tpu.memory_space<hbm>> -> memref<1x128x160xi32, #tpu.memory_space<hbm>>
      %dma_wait3A_128 = tpu.memref_squeeze %dma_wait3A_127 : memref<1x128x160xi32, #tpu.memory_space<hbm>> -> memref<128x160xi32, #tpu.memory_space<hbm>>
      %dma_wait3A_129 = arith.constant 0 : i32
      %dma_wait3A_130 = arith.constant 0 : i32
      %dma_wait3A_131 = tpu.memref_slice %arg4[%arg1, %dma_wait3A_129, %dma_wait3A_130] : memref<16x128x160xi32, #tpu.memory_space<hbm>> -> memref<1x128x160xi32, #tpu.memory_space<hbm>>
      %dma_wait3A_132 = tpu.memref_squeeze %dma_wait3A_131 : memref<1x128x160xi32, #tpu.memory_space<hbm>> -> memref<128x160xi32, #tpu.memory_space<hbm>>
      tpu.wait_dma2 semaphore(%run_scoped3A : memref<!tpu.dma_semaphore, #tpu.memory_space<semaphore_mem>>) src(%dma_wait3A_132 : memref<128x160xi32, #tpu.memory_space<hbm>>) dst(%arg8 : memref<128x160xi32, #tpu.memory_space<vmem>>)
      tpu.yield
    }) : () -> ()
    %mul3A = arith.constant 632 : i32
    %mul3A_0 = arith.muli %arg1, %mul3A : i32
    "tpu.region"() ({
      %run_scoped3A = tpu.sem_alloc : memref<!tpu.dma_semaphore, #tpu.memory_space<semaphore_mem>>
      %dma_start3A_117 = arith.constant 0 : i32
      %dma_start3A_118 = tpu.memref_slice %arg10[%mul3A_0, %dma_start3A_117] : memref<10112x64xf32, #tpu.memory_space<vmem_shared>> -> memref<632x64xf32, #tpu.memory_space<vmem_shared>>
      tpu.enqueue_dma source(%arg5 : memref<632x64xf32, #tpu.memory_space<hbm>>) target(%dma_start3A_118 : memref<632x64xf32, #tpu.memory_space<vmem_shared>>) target_semaphore(%run_scoped3A : memref<!tpu.dma_semaphore, #tpu.memory_space<semaphore_mem>>)
      %dma_wait3A_119 = arith.constant 0 : i32
      %dma_wait3A_120 = tpu.memref_slice %arg10[%mul3A_0, %dma_wait3A_119] : memref<10112x64xf32, #tpu.memory_space<vmem_shared>> -> memref<632x64xf32, #tpu.memory_space<vmem_shared>>
      tpu.wait_dma2 semaphore(%run_scoped3A : memref<!tpu.dma_semaphore, #tpu.memory_space<semaphore_mem>>) src(%arg5 : memref<632x64xf32, #tpu.memory_space<hbm>>) dst(%dma_wait3A_120 : memref<632x64xf32, #tpu.memory_space<vmem_shared>>)
      tpu.yield
    }) : () -> ()
    %barrier3A = arith.constant 0 : index
    tpu.barrier barrier_id(%barrier3A)
    %dma_start3A = arith.constant 0 : i32
    %dma_start3A_1 = arith.constant 0 : i32
    %dma_start3A_2 = arith.constant 0 : i32
    %dma_start3A_3 = arith.constant 0 : i32
    %dma_start3A_4 = tpu.memref_slice %arg9[%dma_start3A_1, %dma_start3A_2, %dma_start3A_3] : memref<4x160x64xf32, #tpu.memory_space<vmem>> -> memref<1x160x64xf32, #tpu.memory_space<vmem>>
    %dma_start3A_5 = tpu.memref_squeeze %dma_start3A_4 : memref<1x160x64xf32, #tpu.memory_space<vmem>> -> memref<160x64xf32, #tpu.memory_space<vmem>>
    %dma_start3A_6 = arith.constant 0 : i32
    %dma_start3A_7 = tpu.memref_slice %arg7[%dma_start3A, %dma_start3A_6] : memref<128x160xi32, #tpu.memory_space<vmem>> -> memref<1x160xi32, #tpu.memory_space<vmem>>
    %dma_start3A_8 = tpu.memref_squeeze %dma_start3A_7 : memref<1x160xi32, #tpu.memory_space<vmem>> -> memref<160xi32, #tpu.memory_space<vmem>>
    %dma_start3A_9 = arith.constant 0 : i32
    %dma_start3A_10 = arith.constant 0 : i32
    %dma_start3A_11 = tpu.memref_slice %arg2[%arg0, %dma_start3A_9, %dma_start3A_10] : memref<2x10000x64xf32, #tpu.memory_space<hbm>> -> memref<1x10000x64xf32, #tpu.memory_space<hbm>>
    %dma_start3A_12 = tpu.memref_squeeze %dma_start3A_11 : memref<1x10000x64xf32, #tpu.memory_space<hbm>> -> memref<10000x64xf32, #tpu.memory_space<hbm>>
    %dma_start3A_13 = arith.constant 0 : i32
    %dma_start3A_14 = arith.constant 0 : i32
    %dma_start3A_15 = tpu.memref_slice %dma_start3A_12[%dma_start3A_13, %dma_start3A_14] : memref<10000x64xf32, #tpu.memory_space<hbm>> -> memref<10000x64xf32, #tpu.memory_space<hbm>>
    tpu.enqueue_indirect_dma source(%dma_start3A_15 : memref<10000x64xf32, #tpu.memory_space<hbm>>) target(%dma_start3A_5 : memref<160x64xf32, #tpu.memory_space<vmem>>) offsets(%dma_start3A_8 : memref<160xi32, #tpu.memory_space<vmem>>) semaphore(%arg11 : memref<!tpu.dma_semaphore, #tpu.memory_space<semaphore_mem>>)
    %dma_start3A_16 = arith.constant 1 : i32
    %dma_start3A_17 = arith.constant 1 : i32
    %dma_start3A_18 = arith.constant 0 : i32
    %dma_start3A_19 = arith.constant 0 : i32
    %dma_start3A_20 = tpu.memref_slice %arg9[%dma_start3A_17, %dma_start3A_18, %dma_start3A_19] : memref<4x160x64xf32, #tpu.memory_space<vmem>> -> memref<1x160x64xf32, #tpu.memory_space<vmem>>
    %dma_start3A_21 = tpu.memref_squeeze %dma_start3A_20 : memref<1x160x64xf32, #tpu.memory_space<vmem>> -> memref<160x64xf32, #tpu.memory_space<vmem>>
    %dma_start3A_22 = arith.constant 0 : i32
    %dma_start3A_23 = tpu.memref_slice %arg7[%dma_start3A_16, %dma_start3A_22] : memref<128x160xi32, #tpu.memory_space<vmem>> -> memref<1x160xi32, #tpu.memory_space<vmem>>
    %dma_start3A_24 = tpu.memref_squeeze %dma_start3A_23 : memref<1x160xi32, #tpu.memory_space<vmem>> -> memref<160xi32, #tpu.memory_space<vmem>>
    %dma_start3A_25 = arith.constant 0 : i32
    %dma_start3A_26 = arith.constant 0 : i32
    %dma_start3A_27 = tpu.memref_slice %arg2[%arg0, %dma_start3A_25, %dma_start3A_26] : memref<2x10000x64xf32, #tpu.memory_space<hbm>> -> memref<1x10000x64xf32, #tpu.memory_space<hbm>>
    %dma_start3A_28 = tpu.memref_squeeze %dma_start3A_27 : memref<1x10000x64xf32, #tpu.memory_space<hbm>> -> memref<10000x64xf32, #tpu.memory_space<hbm>>
    %dma_start3A_29 = arith.constant 0 : i32
    %dma_start3A_30 = arith.constant 0 : i32
    %dma_start3A_31 = tpu.memref_slice %dma_start3A_28[%dma_start3A_29, %dma_start3A_30] : memref<10000x64xf32, #tpu.memory_space<hbm>> -> memref<10000x64xf32, #tpu.memory_space<hbm>>
    tpu.enqueue_indirect_dma source(%dma_start3A_31 : memref<10000x64xf32, #tpu.memory_space<hbm>>) target(%dma_start3A_21 : memref<160x64xf32, #tpu.memory_space<vmem>>) offsets(%dma_start3A_24 : memref<160xi32, #tpu.memory_space<vmem>>) semaphore(%arg12 : memref<!tpu.dma_semaphore, #tpu.memory_space<semaphore_mem>>)
    %dma_start3A_32 = arith.constant 2 : i32
    %dma_start3A_33 = arith.constant 2 : i32
    %dma_start3A_34 = arith.constant 0 : i32
    %dma_start3A_35 = arith.constant 0 : i32
    %dma_start3A_36 = tpu.memref_slice %arg9[%dma_start3A_33, %dma_start3A_34, %dma_start3A_35] : memref<4x160x64xf32, #tpu.memory_space<vmem>> -> memref<1x160x64xf32, #tpu.memory_space<vmem>>
    %dma_start3A_37 = tpu.memref_squeeze %dma_start3A_36 : memref<1x160x64xf32, #tpu.memory_space<vmem>> -> memref<160x64xf32, #tpu.memory_space<vmem>>
    %dma_start3A_38 = arith.constant 0 : i32
    %dma_start3A_39 = tpu.memref_slice %arg7[%dma_start3A_32, %dma_start3A_38] : memref<128x160xi32, #tpu.memory_space<vmem>> -> memref<1x160xi32, #tpu.memory_space<vmem>>
    %dma_start3A_40 = tpu.memref_squeeze %dma_start3A_39 : memref<1x160xi32, #tpu.memory_space<vmem>> -> memref<160xi32, #tpu.memory_space<vmem>>
    %dma_start3A_41 = arith.constant 0 : i32
    %dma_start3A_42 = arith.constant 0 : i32
    %dma_start3A_43 = tpu.memref_slice %arg2[%arg0, %dma_start3A_41, %dma_start3A_42] : memref<2x10000x64xf32, #tpu.memory_space<hbm>> -> memref<1x10000x64xf32, #tpu.memory_space<hbm>>
    %dma_start3A_44 = tpu.memref_squeeze %dma_start3A_43 : memref<1x10000x64xf32, #tpu.memory_space<hbm>> -> memref<10000x64xf32, #tpu.memory_space<hbm>>
    %dma_start3A_45 = arith.constant 0 : i32
    %dma_start3A_46 = arith.constant 0 : i32
    %dma_start3A_47 = tpu.memref_slice %dma_start3A_44[%dma_start3A_45, %dma_start3A_46] : memref<10000x64xf32, #tpu.memory_space<hbm>> -> memref<10000x64xf32, #tpu.memory_space<hbm>>
    tpu.enqueue_indirect_dma source(%dma_start3A_47 : memref<10000x64xf32, #tpu.memory_space<hbm>>) target(%dma_start3A_37 : memref<160x64xf32, #tpu.memory_space<vmem>>) offsets(%dma_start3A_40 : memref<160xi32, #tpu.memory_space<vmem>>) semaphore(%arg13 : memref<!tpu.dma_semaphore, #tpu.memory_space<semaphore_mem>>)
    %dma_start3A_48 = arith.constant 3 : i32
    %dma_start3A_49 = arith.constant 3 : i32
    %dma_start3A_50 = arith.constant 0 : i32
    %dma_start3A_51 = arith.constant 0 : i32
    %dma_start3A_52 = tpu.memref_slice %arg9[%dma_start3A_49, %dma_start3A_50, %dma_start3A_51] : memref<4x160x64xf32, #tpu.memory_space<vmem>> -> memref<1x160x64xf32, #tpu.memory_space<vmem>>
    %dma_start3A_53 = tpu.memref_squeeze %dma_start3A_52 : memref<1x160x64xf32, #tpu.memory_space<vmem>> -> memref<160x64xf32, #tpu.memory_space<vmem>>
    %dma_start3A_54 = arith.constant 0 : i32
    %dma_start3A_55 = tpu.memref_slice %arg7[%dma_start3A_48, %dma_start3A_54] : memref<128x160xi32, #tpu.memory_space<vmem>> -> memref<1x160xi32, #tpu.memory_space<vmem>>
    %dma_start3A_56 = tpu.memref_squeeze %dma_start3A_55 : memref<1x160xi32, #tpu.memory_space<vmem>> -> memref<160xi32, #tpu.memory_space<vmem>>
    %dma_start3A_57 = arith.constant 0 : i32
    %dma_start3A_58 = arith.constant 0 : i32
    %dma_start3A_59 = tpu.memref_slice %arg2[%arg0, %dma_start3A_57, %dma_start3A_58] : memref<2x10000x64xf32, #tpu.memory_space<hbm>> -> memref<1x10000x64xf32, #tpu.memory_space<hbm>>
    %dma_start3A_60 = tpu.memref_squeeze %dma_start3A_59 : memref<1x10000x64xf32, #tpu.memory_space<hbm>> -> memref<10000x64xf32, #tpu.memory_space<hbm>>
    %dma_start3A_61 = arith.constant 0 : i32
    %dma_start3A_62 = arith.constant 0 : i32
    %dma_start3A_63 = tpu.memref_slice %dma_start3A_60[%dma_start3A_61, %dma_start3A_62] : memref<10000x64xf32, #tpu.memory_space<hbm>> -> memref<10000x64xf32, #tpu.memory_space<hbm>>
    tpu.enqueue_indirect_dma source(%dma_start3A_63 : memref<10000x64xf32, #tpu.memory_space<hbm>>) target(%dma_start3A_53 : memref<160x64xf32, #tpu.memory_space<vmem>>) offsets(%dma_start3A_56 : memref<160xi32, #tpu.memory_space<vmem>>) semaphore(%arg14 : memref<!tpu.dma_semaphore, #tpu.memory_space<semaphore_mem>>)
    %scan3A = arith.constant 0 : i32
    %scan3A_64 = arith.constant 0 : i32
    %scan3A_65 = arith.constant 32 : i32
    %scan3A_66 = arith.addi %scan3A_64, %scan3A_65 : i32
    %scan3A_67 = arith.constant 1 : i32
    scf.for %scan3A_117 = %scan3A_64 to %scan3A_66 step %scan3A_67  : i32 {
      %mul3A_118 = arith.constant 4 : i32
      %mul3A_119 = arith.muli %scan3A_117, %mul3A_118 : i32
      %add3A = arith.constant 0 : i32
      %add3A_120 = arith.addi %mul3A_119, %add3A : i32
      %dma_wait3A_121 = arith.constant 0 : i32
      %dma_wait3A_122 = arith.constant 0 : i32
      %dma_wait3A_123 = arith.constant 0 : i32
      %dma_wait3A_124 = tpu.memref_slice %arg9[%dma_wait3A_121, %dma_wait3A_122, %dma_wait3A_123] : memref<4x160x64xf32, #tpu.memory_space<vmem>> -> memref<1x160x64xf32, #tpu.memory_space<vmem>>
      %dma_wait3A_125 = tpu.memref_squeeze %dma_wait3A_124 : memref<1x160x64xf32, #tpu.memory_space<vmem>> -> memref<160x64xf32, #tpu.memory_space<vmem>>
      %dma_wait3A_126 = arith.constant 0 : i32
      %dma_wait3A_127 = tpu.memref_slice %arg7[%add3A_120, %dma_wait3A_126] : memref<128x160xi32, #tpu.memory_space<vmem>> -> memref<1x160xi32, #tpu.memory_space<vmem>>
      %dma_wait3A_128 = tpu.memref_squeeze %dma_wait3A_127 : memref<1x160xi32, #tpu.memory_space<vmem>> -> memref<160xi32, #tpu.memory_space<vmem>>
      %dma_wait3A_129 = arith.constant 0 : i32
      %dma_wait3A_130 = arith.constant 0 : i32
      %dma_wait3A_131 = tpu.memref_slice %arg2[%arg0, %dma_wait3A_129, %dma_wait3A_130] : memref<2x10000x64xf32, #tpu.memory_space<hbm>> -> memref<1x10000x64xf32, #tpu.memory_space<hbm>>
      %dma_wait3A_132 = tpu.memref_squeeze %dma_wait3A_131 : memref<1x10000x64xf32, #tpu.memory_space<hbm>> -> memref<10000x64xf32, #tpu.memory_space<hbm>>
      %dma_wait3A_133 = arith.constant 0 : i32
      %dma_wait3A_134 = arith.constant 0 : i32
      %dma_wait3A_135 = tpu.memref_slice %dma_wait3A_132[%dma_wait3A_133, %dma_wait3A_134] : memref<10000x64xf32, #tpu.memory_space<hbm>> -> memref<10000x64xf32, #tpu.memory_space<hbm>>
      tpu.wait_indirect_dma semaphore(%arg11 : memref<!tpu.dma_semaphore, #tpu.memory_space<semaphore_mem>>) src(%dma_wait3A_135 : memref<10000x64xf32, #tpu.memory_space<hbm>>) dst(%dma_wait3A_125 : memref<160x64xf32, #tpu.memory_space<vmem>>)
      %dma_start3A_136 = arith.constant 0 : i32
      %dma_start3A_137 = arith.constant 0 : i32
      %dma_start3A_138 = arith.constant 0 : i32
      %dma_start3A_139 = tpu.memref_slice %arg9[%dma_start3A_136, %dma_start3A_137, %dma_start3A_138] : memref<4x160x64xf32, #tpu.memory_space<vmem>> -> memref<1x160x64xf32, #tpu.memory_space<vmem>>
      %dma_start3A_140 = tpu.memref_squeeze %dma_start3A_139 : memref<1x160x64xf32, #tpu.memory_space<vmem>> -> memref<160x64xf32, #tpu.memory_space<vmem>>
      %dma_start3A_141 = arith.constant 0 : i32
      %dma_start3A_142 = tpu.memref_slice %arg8[%add3A_120, %dma_start3A_141] : memref<128x160xi32, #tpu.memory_space<vmem>> -> memref<1x160xi32, #tpu.memory_space<vmem>>
      %dma_start3A_143 = tpu.memref_squeeze %dma_start3A_142 : memref<1x160xi32, #tpu.memory_space<vmem>> -> memref<160xi32, #tpu.memory_space<vmem>>
      %dma_start3A_144 = arith.constant 0 : i32
      %dma_start3A_145 = arith.constant 0 : i32
      %dma_start3A_146 = tpu.memref_slice %arg10[%dma_start3A_144, %dma_start3A_145] : memref<10112x64xf32, #tpu.memory_space<vmem_shared>> -> memref<10112x64xf32, #tpu.memory_space<vmem_shared>>
      tpu.enqueue_indirect_dma source(%dma_start3A_140 : memref<160x64xf32, #tpu.memory_space<vmem>>) target(%dma_start3A_146 : memref<10112x64xf32, #tpu.memory_space<vmem_shared>>) offsets(%dma_start3A_143 : memref<160xi32, #tpu.memory_space<vmem>>) semaphore(%arg15 : memref<!tpu.dma_semaphore, #tpu.memory_space<semaphore_mem>>) {add = true}
      %add3A_147 = arith.constant 4 : i32
      %add3A_148 = arith.addi %add3A_120, %add3A_147 : i32
      %lt3A = arith.constant 128 : i32
      %lt3A_149 = arith.cmpi slt, %add3A_148, %lt3A : i32
      %convert_element_type3A = arith.extui %lt3A_149 : i1 to i32
      %cond3A = arith.constant 0 : i32
      %cond3A_150 = arith.cmpi ne, %convert_element_type3A, %cond3A : i32
      scf.if %cond3A_150 {
        %dma_wait3A_262 = arith.constant 0 : i32
        %dma_wait3A_263 = arith.constant 0 : i32
        %dma_wait3A_264 = arith.constant 0 : i32
        %dma_wait3A_265 = tpu.memref_slice %arg9[%dma_wait3A_262, %dma_wait3A_263, %dma_wait3A_264] : memref<4x160x64xf32, #tpu.memory_space<vmem>> -> memref<1x160x64xf32, #tpu.memory_space<vmem>>
        %dma_wait3A_266 = tpu.memref_squeeze %dma_wait3A_265 : memref<1x160x64xf32, #tpu.memory_space<vmem>> -> memref<160x64xf32, #tpu.memory_space<vmem>>
        %dma_wait3A_267 = arith.constant 0 : i32
        %dma_wait3A_268 = tpu.memref_slice %arg8[%add3A_120, %dma_wait3A_267] : memref<128x160xi32, #tpu.memory_space<vmem>> -> memref<1x160xi32, #tpu.memory_space<vmem>>
        %dma_wait3A_269 = tpu.memref_squeeze %dma_wait3A_268 : memref<1x160xi32, #tpu.memory_space<vmem>> -> memref<160xi32, #tpu.memory_space<vmem>>
        %dma_wait3A_270 = arith.constant 0 : i32
        %dma_wait3A_271 = arith.constant 0 : i32
        %dma_wait3A_272 = tpu.memref_slice %arg10[%dma_wait3A_270, %dma_wait3A_271] : memref<10112x64xf32, #tpu.memory_space<vmem_shared>> -> memref<10112x64xf32, #tpu.memory_space<vmem_shared>>
        tpu.wait_indirect_dma semaphore(%arg15 : memref<!tpu.dma_semaphore, #tpu.memory_space<semaphore_mem>>) src(%dma_wait3A_266 : memref<160x64xf32, #tpu.memory_space<vmem>>) dst(%dma_wait3A_272 : memref<10112x64xf32, #tpu.memory_space<vmem_shared>>)
        %dma_start3A_273 = arith.constant 0 : i32
        %dma_start3A_274 = arith.constant 0 : i32
        %dma_start3A_275 = arith.constant 0 : i32
        %dma_start3A_276 = tpu.memref_slice %arg9[%dma_start3A_273, %dma_start3A_274, %dma_start3A_275] : memref<4x160x64xf32, #tpu.memory_space<vmem>> -> memref<1x160x64xf32, #tpu.memory_space<vmem>>
        %dma_start3A_277 = tpu.memref_squeeze %dma_start3A_276 : memref<1x160x64xf32, #tpu.memory_space<vmem>> -> memref<160x64xf32, #tpu.memory_space<vmem>>
        %dma_start3A_278 = arith.constant 0 : i32
        %dma_start3A_279 = tpu.memref_slice %arg7[%add3A_148, %dma_start3A_278] : memref<128x160xi32, #tpu.memory_space<vmem>> -> memref<1x160xi32, #tpu.memory_space<vmem>>
        %dma_start3A_280 = tpu.memref_squeeze %dma_start3A_279 : memref<1x160xi32, #tpu.memory_space<vmem>> -> memref<160xi32, #tpu.memory_space<vmem>>
        %dma_start3A_281 = arith.constant 0 : i32
        %dma_start3A_282 = arith.constant 0 : i32
        %dma_start3A_283 = tpu.memref_slice %arg2[%arg0, %dma_start3A_281, %dma_start3A_282] : memref<2x10000x64xf32, #tpu.memory_space<hbm>> -> memref<1x10000x64xf32, #tpu.memory_space<hbm>>
        %dma_start3A_284 = tpu.memref_squeeze %dma_start3A_283 : memref<1x10000x64xf32, #tpu.memory_space<hbm>> -> memref<10000x64xf32, #tpu.memory_space<hbm>>
        %dma_start3A_285 = arith.constant 0 : i32
        %dma_start3A_286 = arith.constant 0 : i32
        %dma_start3A_287 = tpu.memref_slice %dma_start3A_284[%dma_start3A_285, %dma_start3A_286] : memref<10000x64xf32, #tpu.memory_space<hbm>> -> memref<10000x64xf32, #tpu.memory_space<hbm>>
        tpu.enqueue_indirect_dma source(%dma_start3A_287 : memref<10000x64xf32, #tpu.memory_space<hbm>>) target(%dma_start3A_277 : memref<160x64xf32, #tpu.memory_space<vmem>>) offsets(%dma_start3A_280 : memref<160xi32, #tpu.memory_space<vmem>>) semaphore(%arg11 : memref<!tpu.dma_semaphore, #tpu.memory_space<semaphore_mem>>)
      } else {
      }
      %mul3A_151 = arith.constant 4 : i32
      %mul3A_152 = arith.muli %scan3A_117, %mul3A_151 : i32
      %add3A_153 = arith.constant 1 : i32
      %add3A_154 = arith.addi %mul3A_152, %add3A_153 : i32
      %dma_wait3A_155 = arith.constant 1 : i32
      %dma_wait3A_156 = arith.constant 0 : i32
      %dma_wait3A_157 = arith.constant 0 : i32
      %dma_wait3A_158 = tpu.memref_slice %arg9[%dma_wait3A_155, %dma_wait3A_156, %dma_wait3A_157] : memref<4x160x64xf32, #tpu.memory_space<vmem>> -> memref<1x160x64xf32, #tpu.memory_space<vmem>>
      %dma_wait3A_159 = tpu.memref_squeeze %dma_wait3A_158 : memref<1x160x64xf32, #tpu.memory_space<vmem>> -> memref<160x64xf32, #tpu.memory_space<vmem>>
      %dma_wait3A_160 = arith.constant 0 : i32
      %dma_wait3A_161 = tpu.memref_slice %arg7[%add3A_154, %dma_wait3A_160] : memref<128x160xi32, #tpu.memory_space<vmem>> -> memref<1x160xi32, #tpu.memory_space<vmem>>
      %dma_wait3A_162 = tpu.memref_squeeze %dma_wait3A_161 : memref<1x160xi32, #tpu.memory_space<vmem>> -> memref<160xi32, #tpu.memory_space<vmem>>
      %dma_wait3A_163 = arith.constant 0 : i32
      %dma_wait3A_164 = arith.constant 0 : i32
      %dma_wait3A_165 = tpu.memref_slice %arg2[%arg0, %dma_wait3A_163, %dma_wait3A_164] : memref<2x10000x64xf32, #tpu.memory_space<hbm>> -> memref<1x10000x64xf32, #tpu.memory_space<hbm>>
      %dma_wait3A_166 = tpu.memref_squeeze %dma_wait3A_165 : memref<1x10000x64xf32, #tpu.memory_space<hbm>> -> memref<10000x64xf32, #tpu.memory_space<hbm>>
      %dma_wait3A_167 = arith.constant 0 : i32
      %dma_wait3A_168 = arith.constant 0 : i32
      %dma_wait3A_169 = tpu.memref_slice %dma_wait3A_166[%dma_wait3A_167, %dma_wait3A_168] : memref<10000x64xf32, #tpu.memory_space<hbm>> -> memref<10000x64xf32, #tpu.memory_space<hbm>>
      tpu.wait_indirect_dma semaphore(%arg12 : memref<!tpu.dma_semaphore, #tpu.memory_space<semaphore_mem>>) src(%dma_wait3A_169 : memref<10000x64xf32, #tpu.memory_space<hbm>>) dst(%dma_wait3A_159 : memref<160x64xf32, #tpu.memory_space<vmem>>)
      %dma_start3A_170 = arith.constant 1 : i32
      %dma_start3A_171 = arith.constant 0 : i32
      %dma_start3A_172 = arith.constant 0 : i32
      %dma_start3A_173 = tpu.memref_slice %arg9[%dma_start3A_170, %dma_start3A_171, %dma_start3A_172] : memref<4x160x64xf32, #tpu.memory_space<vmem>> -> memref<1x160x64xf32, #tpu.memory_space<vmem>>
      %dma_start3A_174 = tpu.memref_squeeze %dma_start3A_173 : memref<1x160x64xf32, #tpu.memory_space<vmem>> -> memref<160x64xf32, #tpu.memory_space<vmem>>
      %dma_start3A_175 = arith.constant 0 : i32
      %dma_start3A_176 = tpu.memref_slice %arg8[%add3A_154, %dma_start3A_175] : memref<128x160xi32, #tpu.memory_space<vmem>> -> memref<1x160xi32, #tpu.memory_space<vmem>>
      %dma_start3A_177 = tpu.memref_squeeze %dma_start3A_176 : memref<1x160xi32, #tpu.memory_space<vmem>> -> memref<160xi32, #tpu.memory_space<vmem>>
      %dma_start3A_178 = arith.constant 0 : i32
      %dma_start3A_179 = arith.constant 0 : i32
      %dma_start3A_180 = tpu.memref_slice %arg10[%dma_start3A_178, %dma_start3A_179] : memref<10112x64xf32, #tpu.memory_space<vmem_shared>> -> memref<10112x64xf32, #tpu.memory_space<vmem_shared>>
      tpu.enqueue_indirect_dma source(%dma_start3A_174 : memref<160x64xf32, #tpu.memory_space<vmem>>) target(%dma_start3A_180 : memref<10112x64xf32, #tpu.memory_space<vmem_shared>>) offsets(%dma_start3A_177 : memref<160xi32, #tpu.memory_space<vmem>>) semaphore(%arg16 : memref<!tpu.dma_semaphore, #tpu.memory_space<semaphore_mem>>) {add = true}
      %add3A_181 = arith.constant 4 : i32
      %add3A_182 = arith.addi %add3A_154, %add3A_181 : i32
      %lt3A_183 = arith.constant 128 : i32
      %lt3A_184 = arith.cmpi slt, %add3A_182, %lt3A_183 : i32
      %convert_element_type3A_185 = arith.extui %lt3A_184 : i1 to i32
      %cond3A_186 = arith.constant 0 : i32
      %cond3A_187 = arith.cmpi ne, %convert_element_type3A_185, %cond3A_186 : i32
      scf.if %cond3A_187 {
        %dma_wait3A_262 = arith.constant 1 : i32
        %dma_wait3A_263 = arith.constant 0 : i32
        %dma_wait3A_264 = arith.constant 0 : i32
        %dma_wait3A_265 = tpu.memref_slice %arg9[%dma_wait3A_262, %dma_wait3A_263, %dma_wait3A_264] : memref<4x160x64xf32, #tpu.memory_space<vmem>> -> memref<1x160x64xf32, #tpu.memory_space<vmem>>
        %dma_wait3A_266 = tpu.memref_squeeze %dma_wait3A_265 : memref<1x160x64xf32, #tpu.memory_space<vmem>> -> memref<160x64xf32, #tpu.memory_space<vmem>>
        %dma_wait3A_267 = arith.constant 0 : i32
        %dma_wait3A_268 = tpu.memref_slice %arg8[%add3A_154, %dma_wait3A_267] : memref<128x160xi32, #tpu.memory_space<vmem>> -> memref<1x160xi32, #tpu.memory_space<vmem>>
        %dma_wait3A_269 = tpu.memref_squeeze %dma_wait3A_268 : memref<1x160xi32, #tpu.memory_space<vmem>> -> memref<160xi32, #tpu.memory_space<vmem>>
        %dma_wait3A_270 = arith.constant 0 : i32
        %dma_wait3A_271 = arith.constant 0 : i32
        %dma_wait3A_272 = tpu.memref_slice %arg10[%dma_wait3A_270, %dma_wait3A_271] : memref<10112x64xf32, #tpu.memory_space<vmem_shared>> -> memref<10112x64xf32, #tpu.memory_space<vmem_shared>>
        tpu.wait_indirect_dma semaphore(%arg16 : memref<!tpu.dma_semaphore, #tpu.memory_space<semaphore_mem>>) src(%dma_wait3A_266 : memref<160x64xf32, #tpu.memory_space<vmem>>) dst(%dma_wait3A_272 : memref<10112x64xf32, #tpu.memory_space<vmem_shared>>)
        %dma_start3A_273 = arith.constant 1 : i32
        %dma_start3A_274 = arith.constant 0 : i32
        %dma_start3A_275 = arith.constant 0 : i32
        %dma_start3A_276 = tpu.memref_slice %arg9[%dma_start3A_273, %dma_start3A_274, %dma_start3A_275] : memref<4x160x64xf32, #tpu.memory_space<vmem>> -> memref<1x160x64xf32, #tpu.memory_space<vmem>>
        %dma_start3A_277 = tpu.memref_squeeze %dma_start3A_276 : memref<1x160x64xf32, #tpu.memory_space<vmem>> -> memref<160x64xf32, #tpu.memory_space<vmem>>
        %dma_start3A_278 = arith.constant 0 : i32
        %dma_start3A_279 = tpu.memref_slice %arg7[%add3A_182, %dma_start3A_278] : memref<128x160xi32, #tpu.memory_space<vmem>> -> memref<1x160xi32, #tpu.memory_space<vmem>>
        %dma_start3A_280 = tpu.memref_squeeze %dma_start3A_279 : memref<1x160xi32, #tpu.memory_space<vmem>> -> memref<160xi32, #tpu.memory_space<vmem>>
        %dma_start3A_281 = arith.constant 0 : i32
        %dma_start3A_282 = arith.constant 0 : i32
        %dma_start3A_283 = tpu.memref_slice %arg2[%arg0, %dma_start3A_281, %dma_start3A_282] : memref<2x10000x64xf32, #tpu.memory_space<hbm>> -> memref<1x10000x64xf32, #tpu.memory_space<hbm>>
        %dma_start3A_284 = tpu.memref_squeeze %dma_start3A_283 : memref<1x10000x64xf32, #tpu.memory_space<hbm>> -> memref<10000x64xf32, #tpu.memory_space<hbm>>
        %dma_start3A_285 = arith.constant 0 : i32
        %dma_start3A_286 = arith.constant 0 : i32
        %dma_start3A_287 = tpu.memref_slice %dma_start3A_284[%dma_start3A_285, %dma_start3A_286] : memref<10000x64xf32, #tpu.memory_space<hbm>> -> memref<10000x64xf32, #tpu.memory_space<hbm>>
        tpu.enqueue_indirect_dma source(%dma_start3A_287 : memref<10000x64xf32, #tpu.memory_space<hbm>>) target(%dma_start3A_277 : memref<160x64xf32, #tpu.memory_space<vmem>>) offsets(%dma_start3A_280 : memref<160xi32, #tpu.memory_space<vmem>>) semaphore(%arg12 : memref<!tpu.dma_semaphore, #tpu.memory_space<semaphore_mem>>)
      } else {
      }
      %mul3A_188 = arith.constant 4 : i32
      %mul3A_189 = arith.muli %scan3A_117, %mul3A_188 : i32
      %add3A_190 = arith.constant 2 : i32
      %add3A_191 = arith.addi %mul3A_189, %add3A_190 : i32
      %dma_wait3A_192 = arith.constant 2 : i32
      %dma_wait3A_193 = arith.constant 0 : i32
      %dma_wait3A_194 = arith.constant 0 : i32
      %dma_wait3A_195 = tpu.memref_slice %arg9[%dma_wait3A_192, %dma_wait3A_193, %dma_wait3A_194] : memref<4x160x64xf32, #tpu.memory_space<vmem>> -> memref<1x160x64xf32, #tpu.memory_space<vmem>>
      %dma_wait3A_196 = tpu.memref_squeeze %dma_wait3A_195 : memref<1x160x64xf32, #tpu.memory_space<vmem>> -> memref<160x64xf32, #tpu.memory_space<vmem>>
      %dma_wait3A_197 = arith.constant 0 : i32
      %dma_wait3A_198 = tpu.memref_slice %arg7[%add3A_191, %dma_wait3A_197] : memref<128x160xi32, #tpu.memory_space<vmem>> -> memref<1x160xi32, #tpu.memory_space<vmem>>
      %dma_wait3A_199 = tpu.memref_squeeze %dma_wait3A_198 : memref<1x160xi32, #tpu.memory_space<vmem>> -> memref<160xi32, #tpu.memory_space<vmem>>
      %dma_wait3A_200 = arith.constant 0 : i32
      %dma_wait3A_201 = arith.constant 0 : i32
      %dma_wait3A_202 = tpu.memref_slice %arg2[%arg0, %dma_wait3A_200, %dma_wait3A_201] : memref<2x10000x64xf32, #tpu.memory_space<hbm>> -> memref<1x10000x64xf32, #tpu.memory_space<hbm>>
      %dma_wait3A_203 = tpu.memref_squeeze %dma_wait3A_202 : memref<1x10000x64xf32, #tpu.memory_space<hbm>> -> memref<10000x64xf32, #tpu.memory_space<hbm>>
      %dma_wait3A_204 = arith.constant 0 : i32
      %dma_wait3A_205 = arith.constant 0 : i32
      %dma_wait3A_206 = tpu.memref_slice %dma_wait3A_203[%dma_wait3A_204, %dma_wait3A_205] : memref<10000x64xf32, #tpu.memory_space<hbm>> -> memref<10000x64xf32, #tpu.memory_space<hbm>>
      tpu.wait_indirect_dma semaphore(%arg13 : memref<!tpu.dma_semaphore, #tpu.memory_space<semaphore_mem>>) src(%dma_wait3A_206 : memref<10000x64xf32, #tpu.memory_space<hbm>>) dst(%dma_wait3A_196 : memref<160x64xf32, #tpu.memory_space<vmem>>)
      %dma_start3A_207 = arith.constant 2 : i32
      %dma_start3A_208 = arith.constant 0 : i32
      %dma_start3A_209 = arith.constant 0 : i32
      %dma_start3A_210 = tpu.memref_slice %arg9[%dma_start3A_207, %dma_start3A_208, %dma_start3A_209] : memref<4x160x64xf32, #tpu.memory_space<vmem>> -> memref<1x160x64xf32, #tpu.memory_space<vmem>>
      %dma_start3A_211 = tpu.memref_squeeze %dma_start3A_210 : memref<1x160x64xf32, #tpu.memory_space<vmem>> -> memref<160x64xf32, #tpu.memory_space<vmem>>
      %dma_start3A_212 = arith.constant 0 : i32
      %dma_start3A_213 = tpu.memref_slice %arg8[%add3A_191, %dma_start3A_212] : memref<128x160xi32, #tpu.memory_space<vmem>> -> memref<1x160xi32, #tpu.memory_space<vmem>>
      %dma_start3A_214 = tpu.memref_squeeze %dma_start3A_213 : memref<1x160xi32, #tpu.memory_space<vmem>> -> memref<160xi32, #tpu.memory_space<vmem>>
      %dma_start3A_215 = arith.constant 0 : i32
      %dma_start3A_216 = arith.constant 0 : i32
      %dma_start3A_217 = tpu.memref_slice %arg10[%dma_start3A_215, %dma_start3A_216] : memref<10112x64xf32, #tpu.memory_space<vmem_shared>> -> memref<10112x64xf32, #tpu.memory_space<vmem_shared>>
      tpu.enqueue_indirect_dma source(%dma_start3A_211 : memref<160x64xf32, #tpu.memory_space<vmem>>) target(%dma_start3A_217 : memref<10112x64xf32, #tpu.memory_space<vmem_shared>>) offsets(%dma_start3A_214 : memref<160xi32, #tpu.memory_space<vmem>>) semaphore(%arg17 : memref<!tpu.dma_semaphore, #tpu.memory_space<semaphore_mem>>) {add = true}
      %add3A_218 = arith.constant 4 : i32
      %add3A_219 = arith.addi %add3A_191, %add3A_218 : i32
      %lt3A_220 = arith.constant 128 : i32
      %lt3A_221 = arith.cmpi slt, %add3A_219, %lt3A_220 : i32
      %convert_element_type3A_222 = arith.extui %lt3A_221 : i1 to i32
      %cond3A_223 = arith.constant 0 : i32
      %cond3A_224 = arith.cmpi ne, %convert_element_type3A_222, %cond3A_223 : i32
      scf.if %cond3A_224 {
        %dma_wait3A_262 = arith.constant 2 : i32
        %dma_wait3A_263 = arith.constant 0 : i32
        %dma_wait3A_264 = arith.constant 0 : i32
        %dma_wait3A_265 = tpu.memref_slice %arg9[%dma_wait3A_262, %dma_wait3A_263, %dma_wait3A_264] : memref<4x160x64xf32, #tpu.memory_space<vmem>> -> memref<1x160x64xf32, #tpu.memory_space<vmem>>
        %dma_wait3A_266 = tpu.memref_squeeze %dma_wait3A_265 : memref<1x160x64xf32, #tpu.memory_space<vmem>> -> memref<160x64xf32, #tpu.memory_space<vmem>>
        %dma_wait3A_267 = arith.constant 0 : i32
        %dma_wait3A_268 = tpu.memref_slice %arg8[%add3A_191, %dma_wait3A_267] : memref<128x160xi32, #tpu.memory_space<vmem>> -> memref<1x160xi32, #tpu.memory_space<vmem>>
        %dma_wait3A_269 = tpu.memref_squeeze %dma_wait3A_268 : memref<1x160xi32, #tpu.memory_space<vmem>> -> memref<160xi32, #tpu.memory_space<vmem>>
        %dma_wait3A_270 = arith.constant 0 : i32
        %dma_wait3A_271 = arith.constant 0 : i32
        %dma_wait3A_272 = tpu.memref_slice %arg10[%dma_wait3A_270, %dma_wait3A_271] : memref<10112x64xf32, #tpu.memory_space<vmem_shared>> -> memref<10112x64xf32, #tpu.memory_space<vmem_shared>>
        tpu.wait_indirect_dma semaphore(%arg17 : memref<!tpu.dma_semaphore, #tpu.memory_space<semaphore_mem>>) src(%dma_wait3A_266 : memref<160x64xf32, #tpu.memory_space<vmem>>) dst(%dma_wait3A_272 : memref<10112x64xf32, #tpu.memory_space<vmem_shared>>)
        %dma_start3A_273 = arith.constant 2 : i32
        %dma_start3A_274 = arith.constant 0 : i32
        %dma_start3A_275 = arith.constant 0 : i32
        %dma_start3A_276 = tpu.memref_slice %arg9[%dma_start3A_273, %dma_start3A_274, %dma_start3A_275] : memref<4x160x64xf32, #tpu.memory_space<vmem>> -> memref<1x160x64xf32, #tpu.memory_space<vmem>>
        %dma_start3A_277 = tpu.memref_squeeze %dma_start3A_276 : memref<1x160x64xf32, #tpu.memory_space<vmem>> -> memref<160x64xf32, #tpu.memory_space<vmem>>
        %dma_start3A_278 = arith.constant 0 : i32
        %dma_start3A_279 = tpu.memref_slice %arg7[%add3A_219, %dma_start3A_278] : memref<128x160xi32, #tpu.memory_space<vmem>> -> memref<1x160xi32, #tpu.memory_space<vmem>>
        %dma_start3A_280 = tpu.memref_squeeze %dma_start3A_279 : memref<1x160xi32, #tpu.memory_space<vmem>> -> memref<160xi32, #tpu.memory_space<vmem>>
        %dma_start3A_281 = arith.constant 0 : i32
        %dma_start3A_282 = arith.constant 0 : i32
        %dma_start3A_283 = tpu.memref_slice %arg2[%arg0, %dma_start3A_281, %dma_start3A_282] : memref<2x10000x64xf32, #tpu.memory_space<hbm>> -> memref<1x10000x64xf32, #tpu.memory_space<hbm>>
        %dma_start3A_284 = tpu.memref_squeeze %dma_start3A_283 : memref<1x10000x64xf32, #tpu.memory_space<hbm>> -> memref<10000x64xf32, #tpu.memory_space<hbm>>
        %dma_start3A_285 = arith.constant 0 : i32
        %dma_start3A_286 = arith.constant 0 : i32
        %dma_start3A_287 = tpu.memref_slice %dma_start3A_284[%dma_start3A_285, %dma_start3A_286] : memref<10000x64xf32, #tpu.memory_space<hbm>> -> memref<10000x64xf32, #tpu.memory_space<hbm>>
        tpu.enqueue_indirect_dma source(%dma_start3A_287 : memref<10000x64xf32, #tpu.memory_space<hbm>>) target(%dma_start3A_277 : memref<160x64xf32, #tpu.memory_space<vmem>>) offsets(%dma_start3A_280 : memref<160xi32, #tpu.memory_space<vmem>>) semaphore(%arg13 : memref<!tpu.dma_semaphore, #tpu.memory_space<semaphore_mem>>)
      } else {
      }
      %mul3A_225 = arith.constant 4 : i32
      %mul3A_226 = arith.muli %scan3A_117, %mul3A_225 : i32
      %add3A_227 = arith.constant 3 : i32
      %add3A_228 = arith.addi %mul3A_226, %add3A_227 : i32
      %dma_wait3A_229 = arith.constant 3 : i32
      %dma_wait3A_230 = arith.constant 0 : i32
      %dma_wait3A_231 = arith.constant 0 : i32
      %dma_wait3A_232 = tpu.memref_slice %arg9[%dma_wait3A_229, %dma_wait3A_230, %dma_wait3A_231] : memref<4x160x64xf32, #tpu.memory_space<vmem>> -> memref<1x160x64xf32, #tpu.memory_space<vmem>>
      %dma_wait3A_233 = tpu.memref_squeeze %dma_wait3A_232 : memref<1x160x64xf32, #tpu.memory_space<vmem>> -> memref<160x64xf32, #tpu.memory_space<vmem>>
      %dma_wait3A_234 = arith.constant 0 : i32
      %dma_wait3A_235 = tpu.memref_slice %arg7[%add3A_228, %dma_wait3A_234] : memref<128x160xi32, #tpu.memory_space<vmem>> -> memref<1x160xi32, #tpu.memory_space<vmem>>
      %dma_wait3A_236 = tpu.memref_squeeze %dma_wait3A_235 : memref<1x160xi32, #tpu.memory_space<vmem>> -> memref<160xi32, #tpu.memory_space<vmem>>
      %dma_wait3A_237 = arith.constant 0 : i32
      %dma_wait3A_238 = arith.constant 0 : i32
      %dma_wait3A_239 = tpu.memref_slice %arg2[%arg0, %dma_wait3A_237, %dma_wait3A_238] : memref<2x10000x64xf32, #tpu.memory_space<hbm>> -> memref<1x10000x64xf32, #tpu.memory_space<hbm>>
      %dma_wait3A_240 = tpu.memref_squeeze %dma_wait3A_239 : memref<1x10000x64xf32, #tpu.memory_space<hbm>> -> memref<10000x64xf32, #tpu.memory_space<hbm>>
      %dma_wait3A_241 = arith.constant 0 : i32
      %dma_wait3A_242 = arith.constant 0 : i32
      %dma_wait3A_243 = tpu.memref_slice %dma_wait3A_240[%dma_wait3A_241, %dma_wait3A_242] : memref<10000x64xf32, #tpu.memory_space<hbm>> -> memref<10000x64xf32, #tpu.memory_space<hbm>>
      tpu.wait_indirect_dma semaphore(%arg14 : memref<!tpu.dma_semaphore, #tpu.memory_space<semaphore_mem>>) src(%dma_wait3A_243 : memref<10000x64xf32, #tpu.memory_space<hbm>>) dst(%dma_wait3A_233 : memref<160x64xf32, #tpu.memory_space<vmem>>)
      %dma_start3A_244 = arith.constant 3 : i32
      %dma_start3A_245 = arith.constant 0 : i32
      %dma_start3A_246 = arith.constant 0 : i32
      %dma_start3A_247 = tpu.memref_slice %arg9[%dma_start3A_244, %dma_start3A_245, %dma_start3A_246] : memref<4x160x64xf32, #tpu.memory_space<vmem>> -> memref<1x160x64xf32, #tpu.memory_space<vmem>>
      %dma_start3A_248 = tpu.memref_squeeze %dma_start3A_247 : memref<1x160x64xf32, #tpu.memory_space<vmem>> -> memref<160x64xf32, #tpu.memory_space<vmem>>
      %dma_start3A_249 = arith.constant 0 : i32
      %dma_start3A_250 = tpu.memref_slice %arg8[%add3A_228, %dma_start3A_249] : memref<128x160xi32, #tpu.memory_space<vmem>> -> memref<1x160xi32, #tpu.memory_space<vmem>>
      %dma_start3A_251 = tpu.memref_squeeze %dma_start3A_250 : memref<1x160xi32, #tpu.memory_space<vmem>> -> memref<160xi32, #tpu.memory_space<vmem>>
      %dma_start3A_252 = arith.constant 0 : i32
      %dma_start3A_253 = arith.constant 0 : i32
      %dma_start3A_254 = tpu.memref_slice %arg10[%dma_start3A_252, %dma_start3A_253] : memref<10112x64xf32, #tpu.memory_space<vmem_shared>> -> memref<10112x64xf32, #tpu.memory_space<vmem_shared>>
      tpu.enqueue_indirect_dma source(%dma_start3A_248 : memref<160x64xf32, #tpu.memory_space<vmem>>) target(%dma_start3A_254 : memref<10112x64xf32, #tpu.memory_space<vmem_shared>>) offsets(%dma_start3A_251 : memref<160xi32, #tpu.memory_space<vmem>>) semaphore(%arg18 : memref<!tpu.dma_semaphore, #tpu.memory_space<semaphore_mem>>) {add = true}
      %add3A_255 = arith.constant 4 : i32
      %add3A_256 = arith.addi %add3A_228, %add3A_255 : i32
      %lt3A_257 = arith.constant 128 : i32
      %lt3A_258 = arith.cmpi slt, %add3A_256, %lt3A_257 : i32
      %convert_element_type3A_259 = arith.extui %lt3A_258 : i1 to i32
      %cond3A_260 = arith.constant 0 : i32
      %cond3A_261 = arith.cmpi ne, %convert_element_type3A_259, %cond3A_260 : i32
      scf.if %cond3A_261 {
        %dma_wait3A_262 = arith.constant 3 : i32
        %dma_wait3A_263 = arith.constant 0 : i32
        %dma_wait3A_264 = arith.constant 0 : i32
        %dma_wait3A_265 = tpu.memref_slice %arg9[%dma_wait3A_262, %dma_wait3A_263, %dma_wait3A_264] : memref<4x160x64xf32, #tpu.memory_space<vmem>> -> memref<1x160x64xf32, #tpu.memory_space<vmem>>
        %dma_wait3A_266 = tpu.memref_squeeze %dma_wait3A_265 : memref<1x160x64xf32, #tpu.memory_space<vmem>> -> memref<160x64xf32, #tpu.memory_space<vmem>>
        %dma_wait3A_267 = arith.constant 0 : i32
        %dma_wait3A_268 = tpu.memref_slice %arg8[%add3A_228, %dma_wait3A_267] : memref<128x160xi32, #tpu.memory_space<vmem>> -> memref<1x160xi32, #tpu.memory_space<vmem>>
        %dma_wait3A_269 = tpu.memref_squeeze %dma_wait3A_268 : memref<1x160xi32, #tpu.memory_space<vmem>> -> memref<160xi32, #tpu.memory_space<vmem>>
        %dma_wait3A_270 = arith.constant 0 : i32
        %dma_wait3A_271 = arith.constant 0 : i32
        %dma_wait3A_272 = tpu.memref_slice %arg10[%dma_wait3A_270, %dma_wait3A_271] : memref<10112x64xf32, #tpu.memory_space<vmem_shared>> -> memref<10112x64xf32, #tpu.memory_space<vmem_shared>>
        tpu.wait_indirect_dma semaphore(%arg18 : memref<!tpu.dma_semaphore, #tpu.memory_space<semaphore_mem>>) src(%dma_wait3A_266 : memref<160x64xf32, #tpu.memory_space<vmem>>) dst(%dma_wait3A_272 : memref<10112x64xf32, #tpu.memory_space<vmem_shared>>)
        %dma_start3A_273 = arith.constant 3 : i32
        %dma_start3A_274 = arith.constant 0 : i32
        %dma_start3A_275 = arith.constant 0 : i32
        %dma_start3A_276 = tpu.memref_slice %arg9[%dma_start3A_273, %dma_start3A_274, %dma_start3A_275] : memref<4x160x64xf32, #tpu.memory_space<vmem>> -> memref<1x160x64xf32, #tpu.memory_space<vmem>>
        %dma_start3A_277 = tpu.memref_squeeze %dma_start3A_276 : memref<1x160x64xf32, #tpu.memory_space<vmem>> -> memref<160x64xf32, #tpu.memory_space<vmem>>
        %dma_start3A_278 = arith.constant 0 : i32
        %dma_start3A_279 = tpu.memref_slice %arg7[%add3A_256, %dma_start3A_278] : memref<128x160xi32, #tpu.memory_space<vmem>> -> memref<1x160xi32, #tpu.memory_space<vmem>>
        %dma_start3A_280 = tpu.memref_squeeze %dma_start3A_279 : memref<1x160xi32, #tpu.memory_space<vmem>> -> memref<160xi32, #tpu.memory_space<vmem>>
        %dma_start3A_281 = arith.constant 0 : i32
        %dma_start3A_282 = arith.constant 0 : i32
        %dma_start3A_283 = tpu.memref_slice %arg2[%arg0, %dma_start3A_281, %dma_start3A_282] : memref<2x10000x64xf32, #tpu.memory_space<hbm>> -> memref<1x10000x64xf32, #tpu.memory_space<hbm>>
        %dma_start3A_284 = tpu.memref_squeeze %dma_start3A_283 : memref<1x10000x64xf32, #tpu.memory_space<hbm>> -> memref<10000x64xf32, #tpu.memory_space<hbm>>
        %dma_start3A_285 = arith.constant 0 : i32
        %dma_start3A_286 = arith.constant 0 : i32
        %dma_start3A_287 = tpu.memref_slice %dma_start3A_284[%dma_start3A_285, %dma_start3A_286] : memref<10000x64xf32, #tpu.memory_space<hbm>> -> memref<10000x64xf32, #tpu.memory_space<hbm>>
        tpu.enqueue_indirect_dma source(%dma_start3A_287 : memref<10000x64xf32, #tpu.memory_space<hbm>>) target(%dma_start3A_277 : memref<160x64xf32, #tpu.memory_space<vmem>>) offsets(%dma_start3A_280 : memref<160xi32, #tpu.memory_space<vmem>>) semaphore(%arg14 : memref<!tpu.dma_semaphore, #tpu.memory_space<semaphore_mem>>)
      } else {
      }
    }
    %scan3A_68 = arith.constant 32 : i32
    %dma_wait3A = arith.constant 0 : i32
    %dma_wait3A_69 = arith.constant 0 : i32
    %dma_wait3A_70 = arith.constant 0 : i32
    %dma_wait3A_71 = arith.constant 0 : i32
    %dma_wait3A_72 = tpu.memref_slice %arg9[%dma_wait3A, %dma_wait3A_70, %dma_wait3A_71] : memref<4x160x64xf32, #tpu.memory_space<vmem>> -> memref<1x160x64xf32, #tpu.memory_space<vmem>>
    %dma_wait3A_73 = tpu.memref_squeeze %dma_wait3A_72 : memref<1x160x64xf32, #tpu.memory_space<vmem>> -> memref<160x64xf32, #tpu.memory_space<vmem>>
    %dma_wait3A_74 = arith.constant 0 : i32
    %dma_wait3A_75 = tpu.memref_slice %arg8[%dma_wait3A_69, %dma_wait3A_74] : memref<128x160xi32, #tpu.memory_space<vmem>> -> memref<1x160xi32, #tpu.memory_space<vmem>>
    %dma_wait3A_76 = tpu.memref_squeeze %dma_wait3A_75 : memref<1x160xi32, #tpu.memory_space<vmem>> -> memref<160xi32, #tpu.memory_space<vmem>>
    %dma_wait3A_77 = arith.constant 0 : i32
    %dma_wait3A_78 = arith.constant 0 : i32
    %dma_wait3A_79 = tpu.memref_slice %arg10[%dma_wait3A_77, %dma_wait3A_78] : memref<10112x64xf32, #tpu.memory_space<vmem_shared>> -> memref<10112x64xf32, #tpu.memory_space<vmem_shared>>
    tpu.wait_indirect_dma semaphore(%arg15 : memref<!tpu.dma_semaphore, #tpu.memory_space<semaphore_mem>>) src(%dma_wait3A_73 : memref<160x64xf32, #tpu.memory_space<vmem>>) dst(%dma_wait3A_79 : memref<10112x64xf32, #tpu.memory_space<vmem_shared>>)
    %dma_wait3A_80 = arith.constant 1 : i32
    %dma_wait3A_81 = arith.constant 0 : i32
    %dma_wait3A_82 = arith.constant 0 : i32
    %dma_wait3A_83 = arith.constant 0 : i32
    %dma_wait3A_84 = tpu.memref_slice %arg9[%dma_wait3A_80, %dma_wait3A_82, %dma_wait3A_83] : memref<4x160x64xf32, #tpu.memory_space<vmem>> -> memref<1x160x64xf32, #tpu.memory_space<vmem>>
    %dma_wait3A_85 = tpu.memref_squeeze %dma_wait3A_84 : memref<1x160x64xf32, #tpu.memory_space<vmem>> -> memref<160x64xf32, #tpu.memory_space<vmem>>
    %dma_wait3A_86 = arith.constant 0 : i32
    %dma_wait3A_87 = tpu.memref_slice %arg8[%dma_wait3A_81, %dma_wait3A_86] : memref<128x160xi32, #tpu.memory_space<vmem>> -> memref<1x160xi32, #tpu.memory_space<vmem>>
    %dma_wait3A_88 = tpu.memref_squeeze %dma_wait3A_87 : memref<1x160xi32, #tpu.memory_space<vmem>> -> memref<160xi32, #tpu.memory_space<vmem>>
    %dma_wait3A_89 = arith.constant 0 : i32
    %dma_wait3A_90 = arith.constant 0 : i32
    %dma_wait3A_91 = tpu.memref_slice %arg10[%dma_wait3A_89, %dma_wait3A_90] : memref<10112x64xf32, #tpu.memory_space<vmem_shared>> -> memref<10112x64xf32, #tpu.memory_space<vmem_shared>>
    tpu.wait_indirect_dma semaphore(%arg16 : memref<!tpu.dma_semaphore, #tpu.memory_space<semaphore_mem>>) src(%dma_wait3A_85 : memref<160x64xf32, #tpu.memory_space<vmem>>) dst(%dma_wait3A_91 : memref<10112x64xf32, #tpu.memory_space<vmem_shared>>)
    %dma_wait3A_92 = arith.constant 2 : i32
    %dma_wait3A_93 = arith.constant 0 : i32
    %dma_wait3A_94 = arith.constant 0 : i32
    %dma_wait3A_95 = arith.constant 0 : i32
    %dma_wait3A_96 = tpu.memref_slice %arg9[%dma_wait3A_92, %dma_wait3A_94, %dma_wait3A_95] : memref<4x160x64xf32, #tpu.memory_space<vmem>> -> memref<1x160x64xf32, #tpu.memory_space<vmem>>
    %dma_wait3A_97 = tpu.memref_squeeze %dma_wait3A_96 : memref<1x160x64xf32, #tpu.memory_space<vmem>> -> memref<160x64xf32, #tpu.memory_space<vmem>>
    %dma_wait3A_98 = arith.constant 0 : i32
    %dma_wait3A_99 = tpu.memref_slice %arg8[%dma_wait3A_93, %dma_wait3A_98] : memref<128x160xi32, #tpu.memory_space<vmem>> -> memref<1x160xi32, #tpu.memory_space<vmem>>
    %dma_wait3A_100 = tpu.memref_squeeze %dma_wait3A_99 : memref<1x160xi32, #tpu.memory_space<vmem>> -> memref<160xi32, #tpu.memory_space<vmem>>
    %dma_wait3A_101 = arith.constant 0 : i32
    %dma_wait3A_102 = arith.constant 0 : i32
    %dma_wait3A_103 = tpu.memref_slice %arg10[%dma_wait3A_101, %dma_wait3A_102] : memref<10112x64xf32, #tpu.memory_space<vmem_shared>> -> memref<10112x64xf32, #tpu.memory_space<vmem_shared>>
    tpu.wait_indirect_dma semaphore(%arg17 : memref<!tpu.dma_semaphore, #tpu.memory_space<semaphore_mem>>) src(%dma_wait3A_97 : memref<160x64xf32, #tpu.memory_space<vmem>>) dst(%dma_wait3A_103 : memref<10112x64xf32, #tpu.memory_space<vmem_shared>>)
    %dma_wait3A_104 = arith.constant 3 : i32
    %dma_wait3A_105 = arith.constant 0 : i32
    %dma_wait3A_106 = arith.constant 0 : i32
    %dma_wait3A_107 = arith.constant 0 : i32
    %dma_wait3A_108 = tpu.memref_slice %arg9[%dma_wait3A_104, %dma_wait3A_106, %dma_wait3A_107] : memref<4x160x64xf32, #tpu.memory_space<vmem>> -> memref<1x160x64xf32, #tpu.memory_space<vmem>>
    %dma_wait3A_109 = tpu.memref_squeeze %dma_wait3A_108 : memref<1x160x64xf32, #tpu.memory_space<vmem>> -> memref<160x64xf32, #tpu.memory_space<vmem>>
    %dma_wait3A_110 = arith.constant 0 : i32
    %dma_wait3A_111 = tpu.memref_slice %arg8[%dma_wait3A_105, %dma_wait3A_110] : memref<128x160xi32, #tpu.memory_space<vmem>> -> memref<1x160xi32, #tpu.memory_space<vmem>>
    %dma_wait3A_112 = tpu.memref_squeeze %dma_wait3A_111 : memref<1x160xi32, #tpu.memory_space<vmem>> -> memref<160xi32, #tpu.memory_space<vmem>>
    %dma_wait3A_113 = arith.constant 0 : i32
    %dma_wait3A_114 = arith.constant 0 : i32
    %dma_wait3A_115 = tpu.memref_slice %arg10[%dma_wait3A_113, %dma_wait3A_114] : memref<10112x64xf32, #tpu.memory_space<vmem_shared>> -> memref<10112x64xf32, #tpu.memory_space<vmem_shared>>
    tpu.wait_indirect_dma semaphore(%arg18 : memref<!tpu.dma_semaphore, #tpu.memory_space<semaphore_mem>>) src(%dma_wait3A_109 : memref<160x64xf32, #tpu.memory_space<vmem>>) dst(%dma_wait3A_115 : memref<10112x64xf32, #tpu.memory_space<vmem_shared>>)
    %barrier3A_116 = arith.constant 0 : index
    tpu.barrier barrier_id(%barrier3A_116)
    "tpu.region"() ({
      %run_scoped3A = tpu.sem_alloc : memref<!tpu.dma_semaphore, #tpu.memory_space<semaphore_mem>>
      %dma_start3A_117 = arith.constant 0 : i32
      %dma_start3A_118 = arith.constant 0 : i32
      %dma_start3A_119 = tpu.memref_slice %arg6[%arg0, %dma_start3A_117, %dma_start3A_118] : memref<2x10112x64xf32, #tpu.memory_space<hbm>> -> memref<1x10112x64xf32, #tpu.memory_space<hbm>>
      %dma_start3A_120 = tpu.memref_squeeze %dma_start3A_119 : memref<1x10112x64xf32, #tpu.memory_space<hbm>> -> memref<10112x64xf32, #tpu.memory_space<hbm>>
      %dma_start3A_121 = arith.constant 0 : i32
      %dma_start3A_122 = tpu.memref_slice %dma_start3A_120[%mul3A_0, %dma_start3A_121] : memref<10112x64xf32, #tpu.memory_space<hbm>> -> memref<632x64xf32, #tpu.memory_space<hbm>>
      %dma_start3A_123 = arith.constant 0 : i32
      %dma_start3A_124 = tpu.memref_slice %arg10[%mul3A_0, %dma_start3A_123] : memref<10112x64xf32, #tpu.memory_space<vmem_shared>> -> memref<632x64xf32, #tpu.memory_space<vmem_shared>>
      tpu.enqueue_dma source(%dma_start3A_124 : memref<632x64xf32, #tpu.memory_space<vmem_shared>>) target(%dma_start3A_122 : memref<632x64xf32, #tpu.memory_space<hbm>>) target_semaphore(%run_scoped3A : memref<!tpu.dma_semaphore, #tpu.memory_space<semaphore_mem>>)
      %dma_wait3A_125 = arith.constant 0 : i32
      %dma_wait3A_126 = arith.constant 0 : i32
      %dma_wait3A_127 = tpu.memref_slice %arg6[%arg0, %dma_wait3A_125, %dma_wait3A_126] : memref<2x10112x64xf32, #tpu.memory_space<hbm>> -> memref<1x10112x64xf32, #tpu.memory_space<hbm>>
      %dma_wait3A_128 = tpu.memref_squeeze %dma_wait3A_127 : memref<1x10112x64xf32, #tpu.memory_space<hbm>> -> memref<10112x64xf32, #tpu.memory_space<hbm>>
      %dma_wait3A_129 = arith.constant 0 : i32
      %dma_wait3A_130 = tpu.memref_slice %dma_wait3A_128[%mul3A_0, %dma_wait3A_129] : memref<10112x64xf32, #tpu.memory_space<hbm>> -> memref<632x64xf32, #tpu.memory_space<hbm>>
      %dma_wait3A_131 = arith.constant 0 : i32
      %dma_wait3A_132 = tpu.memref_slice %arg10[%mul3A_0, %dma_wait3A_131] : memref<10112x64xf32, #tpu.memory_space<vmem_shared>> -> memref<632x64xf32, #tpu.memory_space<vmem_shared>>
      tpu.wait_dma2 semaphore(%run_scoped3A : memref<!tpu.dma_semaphore, #tpu.memory_space<semaphore_mem>>) src(%dma_wait3A_132 : memref<632x64xf32, #tpu.memory_space<vmem_shared>>) dst(%dma_wait3A_130 : memref<632x64xf32, #tpu.memory_space<hbm>>)
      tpu.yield
    }) : () -> ()
    return
  }
}

#map = affine_map<(d0, d1) -> (0, 0, 0)>
#map1 = affine_map<(d0, d1) -> (0, 0)>
module attributes {stable_mosaic.version = 14 : i64} {
  func.func @body(%arg0: i32, %arg1: i32, %arg2: memref<32x80x128xi32, #tpu.memory_space<hbm>>, %arg3: memref<632x8xf32, #tpu.memory_space<hbm>>, %arg4: memref<128x8xf32, #tpu.memory_space<hbm>>, %arg5: memref<2x10112x8xf32, #tpu.memory_space<hbm>>, %arg6: memref<80x128xi32, #tpu.memory_space<vmem>>, %arg7: memref<128x8xf32, #tpu.memory_space<vmem>>, %arg8: memref<10112x8xf32, #tpu.memory_space<vmem_shared>>) attributes {dimension_semantics = [#tpu.dimension_semantics<core_parallel>, #tpu.dimension_semantics<subcore_parallel>], iteration_bounds = array<i64: 2, 16>, scalar_prefetch = 0 : i64, scratch_operands = 3 : i64, tpu.core_type = #tpu.core_type<sc_vector_subcore>, window_params = [{transform_indices = #map}, {transform_indices = #map1}, {transform_indices = #map1}, {transform_indices = #map}]} {
    %mul3A = arith.constant 16 : i32
    %mul3A_0 = arith.muli %arg0, %mul3A : i32
    %add3A = arith.addi %mul3A_0, %arg1 : i32
    "tpu.region"() ({
      %run_scoped3A = tpu.sem_alloc : memref<!tpu.dma_semaphore, #tpu.memory_space<semaphore_mem>>
      %dma_start3A = arith.constant 0 : i32
      %dma_start3A_9 = arith.constant 0 : i32
      %dma_start3A_10 = tpu.memref_slice %arg2[%add3A, %dma_start3A, %dma_start3A_9] : memref<32x80x128xi32, #tpu.memory_space<hbm>> -> memref<1x80x128xi32, #tpu.memory_space<hbm>>
      %dma_start3A_11 = tpu.memref_squeeze %dma_start3A_10 : memref<1x80x128xi32, #tpu.memory_space<hbm>> -> memref<80x128xi32, #tpu.memory_space<hbm>>
      %dma_start3A_12 = arith.constant 0 : i32
      %dma_start3A_13 = arith.constant 0 : i32
      %dma_start3A_14 = tpu.memref_slice %arg2[%add3A, %dma_start3A_12, %dma_start3A_13] : memref<32x80x128xi32, #tpu.memory_space<hbm>> -> memref<1x80x128xi32, #tpu.memory_space<hbm>>
      %dma_start3A_15 = tpu.memref_squeeze %dma_start3A_14 : memref<1x80x128xi32, #tpu.memory_space<hbm>> -> memref<80x128xi32, #tpu.memory_space<hbm>>
      tpu.enqueue_dma source(%dma_start3A_15 : memref<80x128xi32, #tpu.memory_space<hbm>>) target(%arg6 : memref<80x128xi32, #tpu.memory_space<vmem>>) target_semaphore(%run_scoped3A : memref<!tpu.dma_semaphore, #tpu.memory_space<semaphore_mem>>)
      %dma_wait3A = arith.constant 0 : i32
      %dma_wait3A_16 = arith.constant 0 : i32
      %dma_wait3A_17 = tpu.memref_slice %arg2[%add3A, %dma_wait3A, %dma_wait3A_16] : memref<32x80x128xi32, #tpu.memory_space<hbm>> -> memref<1x80x128xi32, #tpu.memory_space<hbm>>
      %dma_wait3A_18 = tpu.memref_squeeze %dma_wait3A_17 : memref<1x80x128xi32, #tpu.memory_space<hbm>> -> memref<80x128xi32, #tpu.memory_space<hbm>>
      %dma_wait3A_19 = arith.constant 0 : i32
      %dma_wait3A_20 = arith.constant 0 : i32
      %dma_wait3A_21 = tpu.memref_slice %arg2[%add3A, %dma_wait3A_19, %dma_wait3A_20] : memref<32x80x128xi32, #tpu.memory_space<hbm>> -> memref<1x80x128xi32, #tpu.memory_space<hbm>>
      %dma_wait3A_22 = tpu.memref_squeeze %dma_wait3A_21 : memref<1x80x128xi32, #tpu.memory_space<hbm>> -> memref<80x128xi32, #tpu.memory_space<hbm>>
      tpu.wait_dma2 semaphore(%run_scoped3A : memref<!tpu.dma_semaphore, #tpu.memory_space<semaphore_mem>>) src(%dma_wait3A_22 : memref<80x128xi32, #tpu.memory_space<hbm>>) dst(%arg6 : memref<80x128xi32, #tpu.memory_space<vmem>>)
      tpu.yield
    }) : () -> ()
    %mul3A_1 = arith.constant 632 : i32
    %mul3A_2 = arith.muli %arg1, %mul3A_1 : i32
    "tpu.region"() ({
      %run_scoped3A = tpu.sem_alloc : memref<!tpu.dma_semaphore, #tpu.memory_space<semaphore_mem>>
      %dma_start3A = arith.constant 0 : i32
      %dma_start3A_9 = tpu.memref_slice %arg8[%mul3A_2, %dma_start3A] : memref<10112x8xf32, #tpu.memory_space<vmem_shared>> -> memref<632x8xf32, #tpu.memory_space<vmem_shared>>
      tpu.enqueue_dma source(%arg3 : memref<632x8xf32, #tpu.memory_space<hbm>>) target(%dma_start3A_9 : memref<632x8xf32, #tpu.memory_space<vmem_shared>>) target_semaphore(%run_scoped3A : memref<!tpu.dma_semaphore, #tpu.memory_space<semaphore_mem>>)
      %dma_wait3A = arith.constant 0 : i32
      %dma_wait3A_10 = tpu.memref_slice %arg8[%mul3A_2, %dma_wait3A] : memref<10112x8xf32, #tpu.memory_space<vmem_shared>> -> memref<632x8xf32, #tpu.memory_space<vmem_shared>>
      tpu.wait_dma2 semaphore(%run_scoped3A : memref<!tpu.dma_semaphore, #tpu.memory_space<semaphore_mem>>) src(%arg3 : memref<632x8xf32, #tpu.memory_space<hbm>>) dst(%dma_wait3A_10 : memref<632x8xf32, #tpu.memory_space<vmem_shared>>)
      tpu.yield
    }) : () -> ()
    "tpu.region"() ({
      %run_scoped3A = tpu.sem_alloc : memref<!tpu.dma_semaphore, #tpu.memory_space<semaphore_mem>>
      tpu.enqueue_dma source(%arg4 : memref<128x8xf32, #tpu.memory_space<hbm>>) target(%arg7 : memref<128x8xf32, #tpu.memory_space<vmem>>) target_semaphore(%run_scoped3A : memref<!tpu.dma_semaphore, #tpu.memory_space<semaphore_mem>>)
      tpu.wait_dma2 semaphore(%run_scoped3A : memref<!tpu.dma_semaphore, #tpu.memory_space<semaphore_mem>>) src(%arg4 : memref<128x8xf32, #tpu.memory_space<hbm>>) dst(%arg7 : memref<128x8xf32, #tpu.memory_space<vmem>>)
      tpu.yield
    }) : () -> ()
    %barrier3A = arith.constant 0 : index
    tpu.barrier barrier_id(%barrier3A)
    %scan3A = arith.constant 0 : i32
    %scan3A_3 = arith.constant 0 : i32
    %scan3A_4 = arith.constant 80 : i32
    %scan3A_5 = arith.addi %scan3A_3, %scan3A_4 : i32
    %scan3A_6 = arith.constant 1 : i32
    scf.for %scan3A_9 = %scan3A_3 to %scan3A_5 step %scan3A_6  : i32 {
      "tpu.region"() ({
        %run_scoped3A = tpu.sem_alloc : memref<!tpu.dma_semaphore, #tpu.memory_space<semaphore_mem>>
        %dma_start3A = arith.constant 0 : i32
        %dma_start3A_10 = tpu.memref_slice %arg6[%scan3A_9, %dma_start3A] : memref<80x128xi32, #tpu.memory_space<vmem>> -> memref<1x128xi32, #tpu.memory_space<vmem>>
        %dma_start3A_11 = tpu.memref_squeeze %dma_start3A_10 : memref<1x128xi32, #tpu.memory_space<vmem>> -> memref<128xi32, #tpu.memory_space<vmem>>
        %dma_start3A_12 = arith.constant 0 : i32
        %dma_start3A_13 = arith.constant 0 : i32
        %dma_start3A_14 = tpu.memref_slice %arg8[%dma_start3A_12, %dma_start3A_13] : memref<10112x8xf32, #tpu.memory_space<vmem_shared>> -> memref<10112x8xf32, #tpu.memory_space<vmem_shared>>
        tpu.enqueue_indirect_dma source(%arg7 : memref<128x8xf32, #tpu.memory_space<vmem>>) target(%dma_start3A_14 : memref<10112x8xf32, #tpu.memory_space<vmem_shared>>) offsets(%dma_start3A_11 : memref<128xi32, #tpu.memory_space<vmem>>) semaphore(%run_scoped3A : memref<!tpu.dma_semaphore, #tpu.memory_space<semaphore_mem>>) {add = true}
        %dma_wait3A = arith.constant 0 : i32
        %dma_wait3A_15 = tpu.memref_slice %arg6[%scan3A_9, %dma_wait3A] : memref<80x128xi32, #tpu.memory_space<vmem>> -> memref<1x128xi32, #tpu.memory_space<vmem>>
        %dma_wait3A_16 = tpu.memref_squeeze %dma_wait3A_15 : memref<1x128xi32, #tpu.memory_space<vmem>> -> memref<128xi32, #tpu.memory_space<vmem>>
        %dma_wait3A_17 = arith.constant 0 : i32
        %dma_wait3A_18 = arith.constant 0 : i32
        %dma_wait3A_19 = tpu.memref_slice %arg8[%dma_wait3A_17, %dma_wait3A_18] : memref<10112x8xf32, #tpu.memory_space<vmem_shared>> -> memref<10112x8xf32, #tpu.memory_space<vmem_shared>>
        tpu.wait_indirect_dma semaphore(%run_scoped3A : memref<!tpu.dma_semaphore, #tpu.memory_space<semaphore_mem>>) src(%arg7 : memref<128x8xf32, #tpu.memory_space<vmem>>) dst(%dma_wait3A_19 : memref<10112x8xf32, #tpu.memory_space<vmem_shared>>)
        tpu.yield
      }) : () -> ()
    }
    %scan3A_7 = arith.constant 80 : i32
    %barrier3A_8 = arith.constant 0 : index
    tpu.barrier barrier_id(%barrier3A_8)
    "tpu.region"() ({
      %run_scoped3A = tpu.sem_alloc : memref<!tpu.dma_semaphore, #tpu.memory_space<semaphore_mem>>
      %dma_start3A = arith.constant 0 : i32
      %dma_start3A_9 = arith.constant 0 : i32
      %dma_start3A_10 = tpu.memref_slice %arg5[%arg0, %dma_start3A, %dma_start3A_9] : memref<2x10112x8xf32, #tpu.memory_space<hbm>> -> memref<1x10112x8xf32, #tpu.memory_space<hbm>>
      %dma_start3A_11 = tpu.memref_squeeze %dma_start3A_10 : memref<1x10112x8xf32, #tpu.memory_space<hbm>> -> memref<10112x8xf32, #tpu.memory_space<hbm>>
      %dma_start3A_12 = arith.constant 0 : i32
      %dma_start3A_13 = tpu.memref_slice %dma_start3A_11[%mul3A_2, %dma_start3A_12] : memref<10112x8xf32, #tpu.memory_space<hbm>> -> memref<632x8xf32, #tpu.memory_space<hbm>>
      %dma_start3A_14 = arith.constant 0 : i32
      %dma_start3A_15 = tpu.memref_slice %arg8[%mul3A_2, %dma_start3A_14] : memref<10112x8xf32, #tpu.memory_space<vmem_shared>> -> memref<632x8xf32, #tpu.memory_space<vmem_shared>>
      tpu.enqueue_dma source(%dma_start3A_15 : memref<632x8xf32, #tpu.memory_space<vmem_shared>>) target(%dma_start3A_13 : memref<632x8xf32, #tpu.memory_space<hbm>>) target_semaphore(%run_scoped3A : memref<!tpu.dma_semaphore, #tpu.memory_space<semaphore_mem>>)
      %dma_wait3A = arith.constant 0 : i32
      %dma_wait3A_16 = arith.constant 0 : i32
      %dma_wait3A_17 = tpu.memref_slice %arg5[%arg0, %dma_wait3A, %dma_wait3A_16] : memref<2x10112x8xf32, #tpu.memory_space<hbm>> -> memref<1x10112x8xf32, #tpu.memory_space<hbm>>
      %dma_wait3A_18 = tpu.memref_squeeze %dma_wait3A_17 : memref<1x10112x8xf32, #tpu.memory_space<hbm>> -> memref<10112x8xf32, #tpu.memory_space<hbm>>
      %dma_wait3A_19 = arith.constant 0 : i32
      %dma_wait3A_20 = tpu.memref_slice %dma_wait3A_18[%mul3A_2, %dma_wait3A_19] : memref<10112x8xf32, #tpu.memory_space<hbm>> -> memref<632x8xf32, #tpu.memory_space<hbm>>
      %dma_wait3A_21 = arith.constant 0 : i32
      %dma_wait3A_22 = tpu.memref_slice %arg8[%mul3A_2, %dma_wait3A_21] : memref<10112x8xf32, #tpu.memory_space<vmem_shared>> -> memref<632x8xf32, #tpu.memory_space<vmem_shared>>
      tpu.wait_dma2 semaphore(%run_scoped3A : memref<!tpu.dma_semaphore, #tpu.memory_space<semaphore_mem>>) src(%dma_wait3A_22 : memref<632x8xf32, #tpu.memory_space<vmem_shared>>) dst(%dma_wait3A_20 : memref<632x8xf32, #tpu.memory_space<hbm>>)
      tpu.yield
    }) : () -> ()
    return
  }
}

module attributes {stable_mosaic.version = 14 : i64} {
  func.func @_dense_body(%arg0: i32, %arg1: memref<2x1000x64xf32, #tpu.memory_space<vmem>>, %arg2: memref<2x1000x8xf32, #tpu.memory_space<vmem>>, %arg3: memref<2x1000x64xf32, #tpu.memory_space<vmem>>, %arg4: memref<128x128xf32, #tpu.memory_space<vmem>>, %arg5: memref<128x128xf32, #tpu.memory_space<vmem>>, %arg6: memref<1x128xf32, #tpu.memory_space<vmem>>, %arg7: memref<2x1000x64xf32, #tpu.memory_space<vmem>>) attributes {dimension_semantics = [#tpu.dimension_semantics<arbitrary>], iteration_bounds = array<i64: 10>, scalar_prefetch = 0 : i64, scratch_operands = 0 : i64, tpu.core_type = #tpu.core_type<tc>, window_params = [{transform_indices = @transform_0, window_bounds = array<i64: 2, 1000, 64>}, {transform_indices = @transform_1, window_bounds = array<i64: 2, 1000, 8>}, {transform_indices = @transform_2, window_bounds = array<i64: 2, 1000, 64>}, {pipeline_mode = #tpu.pipeline_mode<synchronous>, transform_indices = @transform_3, window_bounds = array<i64: 128, 128>}, {pipeline_mode = #tpu.pipeline_mode<synchronous>, transform_indices = @transform_4, window_bounds = array<i64: 128, 128>}, {pipeline_mode = #tpu.pipeline_mode<synchronous>, transform_indices = @transform_5, window_bounds = array<i64: 1, 128>}, {transform_indices = @transform_6, window_bounds = array<i64: 2, 1000, 64>}]} {
    %get3A = arith.constant 0 : index
    %get3A_0 = arith.constant 0 : index
    %get3A_1 = arith.constant 0 : index
    %get3A_2 = vector.load %arg2[%get3A, %get3A_0, %get3A_1] : memref<2x1000x8xf32, #tpu.memory_space<vmem>>, vector<1x1000x1xf32>
    %get3A_3 = vector.shape_cast %get3A_2 : vector<1x1000x1xf32> to vector<1000x1xf32>
    %get3A_4 = arith.constant 1 : index
    %get3A_5 = arith.constant 0 : index
    %get3A_6 = arith.constant 0 : index
    %get3A_7 = vector.load %arg2[%get3A_4, %get3A_5, %get3A_6] : memref<2x1000x8xf32, #tpu.memory_space<vmem>>, vector<1x1000x1xf32>
    %get3A_8 = vector.shape_cast %get3A_7 : vector<1x1000x1xf32> to vector<1000x1xf32>
    %add3A = arith.addf %get3A_3, %get3A_8 : vector<1000x1xf32>
    %get3A_9 = arith.constant 0 : index
    %get3A_10 = arith.constant 0 : index
    %get3A_11 = arith.constant 0 : index
    %get3A_12 = vector.load %arg1[%get3A_9, %get3A_10, %get3A_11] : memref<2x1000x64xf32, #tpu.memory_space<vmem>>, vector<1x1000x64xf32>
    %get3A_13 = vector.shape_cast %get3A_12 : vector<1x1000x64xf32> to vector<1000x64xf32>
    %get3A_14 = arith.constant 1 : index
    %get3A_15 = arith.constant 0 : index
    %get3A_16 = arith.constant 0 : index
    %get3A_17 = vector.load %arg1[%get3A_14, %get3A_15, %get3A_16] : memref<2x1000x64xf32, #tpu.memory_space<vmem>>, vector<1x1000x64xf32>
    %get3A_18 = vector.shape_cast %get3A_17 : vector<1x1000x64xf32> to vector<1000x64xf32>
    %concatenate3A = tpu.concatenate %get3A_13, %get3A_18 in 1 : vector<1000x64xf32>, vector<1000x64xf32> -> vector<1000x128xf32>
    %get3A_19 = arith.constant 0 : index
    %get3A_20 = arith.constant 0 : index
    %get3A_21 = arith.constant 0 : index
    %get3A_22 = vector.load %arg3[%get3A_19, %get3A_20, %get3A_21] : memref<2x1000x64xf32, #tpu.memory_space<vmem>>, vector<1x1000x64xf32>
    %get3A_23 = vector.shape_cast %get3A_22 : vector<1x1000x64xf32> to vector<1000x64xf32>
    %get3A_24 = arith.constant 1 : index
    %get3A_25 = arith.constant 0 : index
    %get3A_26 = arith.constant 0 : index
    %get3A_27 = vector.load %arg3[%get3A_24, %get3A_25, %get3A_26] : memref<2x1000x64xf32, #tpu.memory_space<vmem>>, vector<1x1000x64xf32>
    %get3A_28 = vector.shape_cast %get3A_27 : vector<1x1000x64xf32> to vector<1000x64xf32>
    %concatenate3A_29 = tpu.concatenate %get3A_23, %get3A_28 in 1 : vector<1000x64xf32>, vector<1000x64xf32> -> vector<1000x128xf32>
    %max3A = arith.constant 1.000000e+00 : f32
    %max3A_30 = vector.broadcast %max3A : f32 to vector<1000x1xf32>
    %max3A_31 = arith.maximumf %add3A, %max3A_30 : vector<1000x1xf32>
    %div3A = vector.broadcast %max3A_31 : vector<1000x1xf32> to vector<1000x128xf32>
    %div3A_32 = arith.divf %concatenate3A, %div3A : vector<1000x128xf32>
    %get3A_33 = arith.constant 0 : index
    %get3A_34 = arith.constant 0 : index
    %get3A_35 = vector.load %arg4[%get3A_33, %get3A_34] : memref<128x128xf32, #tpu.memory_space<vmem>>, vector<128x128xf32>
    %dot_general3A = arith.constant dense<0.000000e+00> : vector<1000x128xf32>
    %dot_general3A_36 = tpu.matmul %div3A_32, %get3A_35, %dot_general3A {dimension_numbers = #tpu.dot_dimension_numbers<[1], [0], [0], [1], [0, 0, 1, 1], [], []>, transpose_lhs_hint = false} : vector<1000x128xf32>, vector<128x128xf32>, vector<1000x128xf32> -> vector<1000x128xf32>
    %get3A_37 = arith.constant 0 : index
    %get3A_38 = arith.constant 0 : index
    %get3A_39 = vector.load %arg5[%get3A_37, %get3A_38] : memref<128x128xf32, #tpu.memory_space<vmem>>, vector<128x128xf32>
    %dot_general3A_40 = arith.constant dense<0.000000e+00> : vector<1000x128xf32>
    %dot_general3A_41 = tpu.matmul %concatenate3A_29, %get3A_39, %dot_general3A_40 {dimension_numbers = #tpu.dot_dimension_numbers<[1], [0], [0], [1], [0, 0, 1, 1], [], []>, transpose_lhs_hint = false} : vector<1000x128xf32>, vector<128x128xf32>, vector<1000x128xf32> -> vector<1000x128xf32>
    %add3A_42 = arith.addf %dot_general3A_36, %dot_general3A_41 : vector<1000x128xf32>
    %get3A_43 = arith.constant 0 : index
    %get3A_44 = arith.constant 0 : index
    %get3A_45 = vector.load %arg6[%get3A_43, %get3A_44] : memref<1x128xf32, #tpu.memory_space<vmem>>, vector<1x128xf32>
    %add3A_46 = vector.broadcast %get3A_45 : vector<1x128xf32> to vector<1000x128xf32>
    %add3A_47 = arith.addf %add3A_42, %add3A_46 : vector<1000x128xf32>
    %max3A_48 = arith.constant 0.000000e+00 : f32
    %max3A_49 = vector.broadcast %max3A_48 : f32 to vector<1000x128xf32>
    %max3A_50 = arith.maximumf %add3A_47, %max3A_49 : vector<1000x128xf32>
    %slice3A = vector.extract_strided_slice %max3A_50 {offsets = [0, 0], sizes = [1000, 64], strides = [1, 1]} : vector<1000x128xf32> to vector<1000x64xf32>
    %swap3A = arith.constant 0 : index
    %swap3A_51 = arith.constant 0 : index
    %swap3A_52 = arith.constant 0 : index
    %swap3A_53 = vector.load %arg7[%swap3A, %swap3A_51, %swap3A_52] : memref<2x1000x64xf32, #tpu.memory_space<vmem>>, vector<1x1000x64xf32>
    %swap3A_54 = vector.shape_cast %swap3A_53 : vector<1x1000x64xf32> to vector<1000x64xf32>
    %swap3A_55 = vector.shape_cast %slice3A : vector<1000x64xf32> to vector<1x1000x64xf32>
    tpu.vector_store %arg7[%swap3A, %swap3A_51, %swap3A_52], %swap3A_55 {strides = array<i32>} : memref<2x1000x64xf32, #tpu.memory_space<vmem>>, vector<1x1000x64xf32>,
    %slice3A_56 = vector.extract_strided_slice %max3A_50 {offsets = [0, 64], sizes = [1000, 64], strides = [1, 1]} : vector<1000x128xf32> to vector<1000x64xf32>
    %swap3A_57 = arith.constant 1 : index
    %swap3A_58 = arith.constant 0 : index
    %swap3A_59 = arith.constant 0 : index
    %swap3A_60 = vector.load %arg7[%swap3A_57, %swap3A_58, %swap3A_59] : memref<2x1000x64xf32, #tpu.memory_space<vmem>>, vector<1x1000x64xf32>
    %swap3A_61 = vector.shape_cast %swap3A_60 : vector<1x1000x64xf32> to vector<1000x64xf32>
    %swap3A_62 = vector.shape_cast %slice3A_56 : vector<1000x64xf32> to vector<1x1000x64xf32>
    tpu.vector_store %arg7[%swap3A_57, %swap3A_58, %swap3A_59], %swap3A_62 {strides = array<i32>} : memref<2x1000x64xf32, #tpu.memory_space<vmem>>, vector<1x1000x64xf32>,
    return
  }
  func.func @transform_0(%arg0: i32) -> (i32, i32, i32) {
    %c0_i32 = arith.constant 0 : i32
    %c0_i32_0 = arith.constant 0 : i32
    %c0_i32_1 = arith.constant 0 : i32
    return %c0_i32, %arg0, %c0_i32_0 : i32, i32, i32
  }
  func.func @transform_1(%arg0: i32) -> (i32, i32, i32) {
    %c0_i32 = arith.constant 0 : i32
    %c0_i32_0 = arith.constant 0 : i32
    %c0_i32_1 = arith.constant 0 : i32
    return %c0_i32, %arg0, %c0_i32_0 : i32, i32, i32
  }
  func.func @transform_2(%arg0: i32) -> (i32, i32, i32) {
    %c0_i32 = arith.constant 0 : i32
    %c0_i32_0 = arith.constant 0 : i32
    %c0_i32_1 = arith.constant 0 : i32
    return %c0_i32, %arg0, %c0_i32_0 : i32, i32, i32
  }
  func.func @transform_3(%arg0: i32) -> (i32, i32) {
    %c0_i32 = arith.constant 0 : i32
    %c0_i32_0 = arith.constant 0 : i32
    %c0_i32_1 = arith.constant 0 : i32
    return %c0_i32, %c0_i32_0 : i32, i32
  }
  func.func @transform_4(%arg0: i32) -> (i32, i32) {
    %c0_i32 = arith.constant 0 : i32
    %c0_i32_0 = arith.constant 0 : i32
    %c0_i32_1 = arith.constant 0 : i32
    return %c0_i32, %c0_i32_0 : i32, i32
  }
  func.func @transform_5(%arg0: i32) -> (i32, i32) {
    %c0_i32 = arith.constant 0 : i32
    %c0_i32_0 = arith.constant 0 : i32
    %c0_i32_1 = arith.constant 0 : i32
    return %c0_i32, %c0_i32_0 : i32, i32
  }
  func.func @transform_6(%arg0: i32) -> (i32, i32, i32) {
    %c0_i32 = arith.constant 0 : i32
    %c0_i32_0 = arith.constant 0 : i32
    %c0_i32_1 = arith.constant 0 : i32
    return %c0_i32, %arg0, %c0_i32_0 : i32, i32, i32
  }
}

module attributes {stable_mosaic.version = 14 : i64} {
  func.func @_final_body(%arg0: i32, %arg1: memref<2x1000x64xf32, #tpu.memory_space<vmem>>, %arg2: memref<1000x1xi32, #tpu.memory_space<vmem>>, %arg3: memref<128x128xf32, #tpu.memory_space<vmem>>, %arg4: memref<1x128xf32, #tpu.memory_space<vmem>>, %arg5: memref<128x10xf32, #tpu.memory_space<vmem>>, %arg6: memref<1x10xf32, #tpu.memory_space<vmem>>, %arg7: memref<64x10xf32, #tpu.memory_space<vmem>>, %arg8: memref<64x128xf32, #tpu.memory_space<vmem>>, %arg9: memref<64x128xf32, #tpu.memory_space<vmem>>) attributes {dimension_semantics = [#tpu.dimension_semantics<arbitrary>], iteration_bounds = array<i64: 10>, scalar_prefetch = 0 : i64, scratch_operands = 2 : i64, tpu.core_type = #tpu.core_type<tc>, window_params = [{transform_indices = @transform_0, window_bounds = array<i64: 2, 1000, 64>}, {transform_indices = @transform_1, window_bounds = array<i64: 1000, 1>}, {pipeline_mode = #tpu.pipeline_mode<synchronous>, transform_indices = @transform_2, window_bounds = array<i64: 128, 128>}, {pipeline_mode = #tpu.pipeline_mode<synchronous>, transform_indices = @transform_3, window_bounds = array<i64: 1, 128>}, {pipeline_mode = #tpu.pipeline_mode<synchronous>, transform_indices = @transform_4, window_bounds = array<i64: 128, 10>}, {pipeline_mode = #tpu.pipeline_mode<synchronous>, transform_indices = @transform_5, window_bounds = array<i64: 1, 10>}, {pipeline_mode = #tpu.pipeline_mode<synchronous>, transform_indices = @transform_6, window_bounds = array<i64: 64, 10>}]} {
    %get3A = arith.constant 0 : index
    %get3A_0 = arith.constant 0 : index
    %get3A_1 = arith.constant 0 : index
    %get3A_2 = vector.load %arg1[%get3A, %get3A_0, %get3A_1] : memref<2x1000x64xf32, #tpu.memory_space<vmem>>, vector<1x1000x64xf32>
    %get3A_3 = vector.shape_cast %get3A_2 : vector<1x1000x64xf32> to vector<1000x64xf32>
    %get3A_4 = arith.constant 1 : index
    %get3A_5 = arith.constant 0 : index
    %get3A_6 = arith.constant 0 : index
    %get3A_7 = vector.load %arg1[%get3A_4, %get3A_5, %get3A_6] : memref<2x1000x64xf32, #tpu.memory_space<vmem>>, vector<1x1000x64xf32>
    %get3A_8 = vector.shape_cast %get3A_7 : vector<1x1000x64xf32> to vector<1000x64xf32>
    %concatenate3A = tpu.concatenate %get3A_3, %get3A_8 in 1 : vector<1000x64xf32>, vector<1000x64xf32> -> vector<1000x128xf32>
    %get3A_9 = arith.constant 0 : index
    %get3A_10 = arith.constant 0 : index
    %get3A_11 = vector.load %arg2[%get3A_9, %get3A_10] : memref<1000x1xi32, #tpu.memory_space<vmem>>, vector<1000x1xi32>
    %iota3A = tpu.iota {dimensions = array<i32: 1>} : vector<1x64xi32>
    %eq3A = vector.broadcast %get3A_11 : vector<1000x1xi32> to vector<1000x64xi32>
    %eq3A_12 = vector.broadcast %iota3A : vector<1x64xi32> to vector<1000x64xi32>
    %eq3A_13 = arith.cmpi eq, %eq3A, %eq3A_12 : vector<1000x64xi32>
    %convert_element_type3A = arith.extui %eq3A_13 : vector<1000x64xi1> to vector<1000x64xi32>
    %convert_element_type3A_14 = arith.sitofp %convert_element_type3A : vector<1000x64xi32> to vector<1000x64xf32>
    %eq3A_15 = arith.constant 0 : i32
    %eq3A_16 = arith.cmpi eq, %arg0, %eq3A_15 : i32
    %convert_element_type3A_17 = arith.extui %eq3A_16 : i1 to i32
    %cond3A = arith.constant 0 : i32
    %cond3A_18 = arith.cmpi ne, %convert_element_type3A_17, %cond3A : i32
    scf.if %cond3A_18 {
      %broadcast_in_dim3A_40 = arith.constant 0.000000e+00 : f32
      %broadcast_in_dim3A_41 = vector.broadcast %broadcast_in_dim3A_40 : f32 to vector<64x128xf32>
      %swap3A_42 = arith.constant 0 : index
      %swap3A_43 = arith.constant 0 : index
      %swap3A_44 = vector.load %arg8[%swap3A_42, %swap3A_43] : memref<64x128xf32, #tpu.memory_space<vmem>>, vector<64x128xf32>
      tpu.vector_store %arg8[%swap3A_42, %swap3A_43], %broadcast_in_dim3A_41 {strides = array<i32>} : memref<64x128xf32, #tpu.memory_space<vmem>>, vector<64x128xf32>,
      %broadcast_in_dim3A_45 = arith.constant 0.000000e+00 : f32
      %broadcast_in_dim3A_46 = vector.broadcast %broadcast_in_dim3A_45 : f32 to vector<64x128xf32>
      %swap3A_47 = arith.constant 0 : index
      %swap3A_48 = arith.constant 0 : index
      %swap3A_49 = vector.load %arg9[%swap3A_47, %swap3A_48] : memref<64x128xf32, #tpu.memory_space<vmem>>, vector<64x128xf32>
      tpu.vector_store %arg9[%swap3A_47, %swap3A_48], %broadcast_in_dim3A_46 {strides = array<i32>} : memref<64x128xf32, #tpu.memory_space<vmem>>, vector<64x128xf32>,
    } else {
    }
    %get3A_19 = arith.constant 0 : index
    %get3A_20 = arith.constant 0 : index
    %get3A_21 = vector.load %arg8[%get3A_19, %get3A_20] : memref<64x128xf32, #tpu.memory_space<vmem>>, vector<64x128xf32>
    %dot_general3A = arith.constant dense<0.000000e+00> : vector<64x128xf32>
    %dot_general3A_22 = tpu.matmul %convert_element_type3A_14, %concatenate3A, %dot_general3A {dimension_numbers = #tpu.dot_dimension_numbers<[0], [0], [1], [1], [0, 1, 1, 1], [], []>, transpose_lhs_hint = false} : vector<1000x64xf32>, vector<1000x128xf32>, vector<64x128xf32> -> vector<64x128xf32>
    %add3A = arith.addf %get3A_21, %dot_general3A_22 : vector<64x128xf32>
    %swap3A = arith.constant 0 : index
    %swap3A_23 = arith.constant 0 : index
    %swap3A_24 = vector.load %arg8[%swap3A, %swap3A_23] : memref<64x128xf32, #tpu.memory_space<vmem>>, vector<64x128xf32>
    tpu.vector_store %arg8[%swap3A, %swap3A_23], %add3A {strides = array<i32>} : memref<64x128xf32, #tpu.memory_space<vmem>>, vector<64x128xf32>,
    %get3A_25 = arith.constant 0 : index
    %get3A_26 = arith.constant 0 : index
    %get3A_27 = vector.load %arg9[%get3A_25, %get3A_26] : memref<64x128xf32, #tpu.memory_space<vmem>>, vector<64x128xf32>
    %broadcast_in_dim3A = arith.constant 1.000000e+00 : f32
    %broadcast_in_dim3A_28 = vector.broadcast %broadcast_in_dim3A : f32 to vector<1000x128xf32>
    %dot_general3A_29 = arith.constant dense<0.000000e+00> : vector<64x128xf32>
    %dot_general3A_30 = tpu.matmul %convert_element_type3A_14, %broadcast_in_dim3A_28, %dot_general3A_29 {dimension_numbers = #tpu.dot_dimension_numbers<[0], [0], [1], [1], [0, 1, 1, 1], [], []>, transpose_lhs_hint = false} : vector<1000x64xf32>, vector<1000x128xf32>, vector<64x128xf32> -> vector<64x128xf32>
    %add3A_31 = arith.addf %get3A_27, %dot_general3A_30 : vector<64x128xf32>
    %swap3A_32 = arith.constant 0 : index
    %swap3A_33 = arith.constant 0 : index
    %swap3A_34 = vector.load %arg9[%swap3A_32, %swap3A_33] : memref<64x128xf32, #tpu.memory_space<vmem>>, vector<64x128xf32>
    tpu.vector_store %arg9[%swap3A_32, %swap3A_33], %add3A_31 {strides = array<i32>} : memref<64x128xf32, #tpu.memory_space<vmem>>, vector<64x128xf32>,
    %eq3A_35 = arith.constant 9 : i32
    %eq3A_36 = arith.cmpi eq, %arg0, %eq3A_35 : i32
    %convert_element_type3A_37 = arith.extui %eq3A_36 : i1 to i32
    %cond3A_38 = arith.constant 0 : i32
    %cond3A_39 = arith.cmpi ne, %convert_element_type3A_37, %cond3A_38 : i32
    scf.if %cond3A_39 {
      %get3A_40 = arith.constant 0 : index
      %get3A_41 = arith.constant 0 : index
      %get3A_42 = vector.load %arg8[%get3A_40, %get3A_41] : memref<64x128xf32, #tpu.memory_space<vmem>>, vector<64x128xf32>
      %get3A_43 = arith.constant 0 : index
      %get3A_44 = arith.constant 0 : index
      %get3A_45 = vector.load %arg9[%get3A_43, %get3A_44] : memref<64x128xf32, #tpu.memory_space<vmem>>, vector<64x128xf32>
      %max3A = arith.constant 1.000000e+00 : f32
      %max3A_46 = vector.broadcast %max3A : f32 to vector<64x128xf32>
      %max3A_47 = arith.maximumf %get3A_45, %max3A_46 : vector<64x128xf32>
      %div3A = arith.divf %get3A_42, %max3A_47 : vector<64x128xf32>
      %get3A_48 = arith.constant 0 : index
      %get3A_49 = arith.constant 0 : index
      %get3A_50 = vector.load %arg3[%get3A_48, %get3A_49] : memref<128x128xf32, #tpu.memory_space<vmem>>, vector<128x128xf32>
      %dot_general3A_51 = arith.constant dense<0.000000e+00> : vector<64x128xf32>
      %dot_general3A_52 = tpu.matmul %div3A, %get3A_50, %dot_general3A_51 {dimension_numbers = #tpu.dot_dimension_numbers<[1], [0], [0], [1], [0, 0, 1, 1], [], []>, transpose_lhs_hint = false} : vector<64x128xf32>, vector<128x128xf32>, vector<64x128xf32> -> vector<64x128xf32>
      %get3A_53 = arith.constant 0 : index
      %get3A_54 = arith.constant 0 : index
      %get3A_55 = vector.load %arg4[%get3A_53, %get3A_54] : memref<1x128xf32, #tpu.memory_space<vmem>>, vector<1x128xf32>
      %add3A_56 = vector.broadcast %get3A_55 : vector<1x128xf32> to vector<64x128xf32>
      %add3A_57 = arith.addf %dot_general3A_52, %add3A_56 : vector<64x128xf32>
      %max3A_58 = arith.constant 0.000000e+00 : f32
      %max3A_59 = vector.broadcast %max3A_58 : f32 to vector<64x128xf32>
      %max3A_60 = arith.maximumf %add3A_57, %max3A_59 : vector<64x128xf32>
      %get3A_61 = arith.constant 0 : index
      %get3A_62 = arith.constant 0 : index
      %get3A_63 = vector.load %arg5[%get3A_61, %get3A_62] : memref<128x10xf32, #tpu.memory_space<vmem>>, vector<128x10xf32>
      %dot_general3A_64 = arith.constant dense<0.000000e+00> : vector<64x10xf32>
      %dot_general3A_65 = tpu.matmul %max3A_60, %get3A_63, %dot_general3A_64 {dimension_numbers = #tpu.dot_dimension_numbers<[1], [0], [0], [1], [0, 0, 1, 1], [], []>, transpose_lhs_hint = false} : vector<64x128xf32>, vector<128x10xf32>, vector<64x10xf32> -> vector<64x10xf32>
      %get3A_66 = arith.constant 0 : index
      %get3A_67 = arith.constant 0 : index
      %get3A_68 = vector.load %arg6[%get3A_66, %get3A_67] : memref<1x10xf32, #tpu.memory_space<vmem>>, vector<1x10xf32>
      %add3A_69 = vector.broadcast %get3A_68 : vector<1x10xf32> to vector<64x10xf32>
      %add3A_70 = arith.addf %dot_general3A_65, %add3A_69 : vector<64x10xf32>
      %swap3A_71 = arith.constant 0 : index
      %swap3A_72 = arith.constant 0 : index
      %swap3A_73 = vector.load %arg7[%swap3A_71, %swap3A_72] : memref<64x10xf32, #tpu.memory_space<vmem>>, vector<64x10xf32>
      tpu.vector_store %arg7[%swap3A_71, %swap3A_72], %add3A_70 {strides = array<i32>} : memref<64x10xf32, #tpu.memory_space<vmem>>, vector<64x10xf32>,
    } else {
    }
    return
  }
  func.func @transform_0(%arg0: i32) -> (i32, i32, i32) {
    %c0_i32 = arith.constant 0 : i32
    %c0_i32_0 = arith.constant 0 : i32
    %c0_i32_1 = arith.constant 0 : i32
    return %c0_i32, %arg0, %c0_i32_0 : i32, i32, i32
  }
  func.func @transform_1(%arg0: i32) -> (i32, i32) {
    %c0_i32 = arith.constant 0 : i32
    %c0_i32_0 = arith.constant 0 : i32
    return %arg0, %c0_i32 : i32, i32
  }
  func.func @transform_2(%arg0: i32) -> (i32, i32) {
    %c0_i32 = arith.constant 0 : i32
    %c0_i32_0 = arith.constant 0 : i32
    %c0_i32_1 = arith.constant 0 : i32
    return %c0_i32, %c0_i32_0 : i32, i32
  }
  func.func @transform_3(%arg0: i32) -> (i32, i32) {
    %c0_i32 = arith.constant 0 : i32
    %c0_i32_0 = arith.constant 0 : i32
    %c0_i32_1 = arith.constant 0 : i32
    return %c0_i32, %c0_i32_0 : i32, i32
  }
  func.func @transform_4(%arg0: i32) -> (i32, i32) {
    %c0_i32 = arith.constant 0 : i32
    %c0_i32_0 = arith.constant 0 : i32
    %c0_i32_1 = arith.constant 0 : i32
    return %c0_i32, %c0_i32_0 : i32, i32
  }
  func.func @transform_5(%arg0: i32) -> (i32, i32) {
    %c0_i32 = arith.constant 0 : i32
    %c0_i32_0 = arith.constant 0 : i32
    %c0_i32_1 = arith.constant 0 : i32
    return %c0_i32, %c0_i32_0 : i32, i32
  }
  func.func @transform_6(%arg0: i32) -> (i32, i32) {
    %c0_i32 = arith.constant 0 : i32
    %c0_i32_0 = arith.constant 0 : i32
    %c0_i32_1 = arith.constant 0 : i32
    return %c0_i32, %c0_i32_0 : i32, i32
  }
}

</mosaic_0001>

<sc_bundles>
// kernel: closed_call.11.cloned.1.call-start
scs
__scs_entry_jumppad:
0x0: {  	(pc) =	sbr.rel $0x88, $3  }
0x1: {  	(tag) =	ssettag $0x0;
	lr =	simm.s32 $0x1  }
0x2: {  	[smem:$0x3F86] =	sst lr;
	_ =	strace $0xD0000000  }
0x3: {  	_ = 	snop  }
0x4: {  	_ = 	snop  }
0x5: {  	_ = 	snop  }
0x6: {  	_ = 	snop  }
0x7: {  	_ = 	snop  }
__scs_overlays_trampoline_lowered:
0x8: {  	[smem:$0x3F95] =	sst s0  }
0x9: {  	[smem:$0x3F96] =	sst s1  }
0xa: {  	[smem:$0x3F97] =	sst s2  }
0xb: {  	[smem:$0x3F98] =	sst s3  }
0xc: {  	[smem:$0x3F99] =	sst s4  }
0xd: {  	[smem:$0x3F9A] =	sst s5  }
0xe: {  	[smem:$0x3F9B] =	sst s6  }
0xf: {  	[smem:$0x3F9C] =	sst s7  }
0x10: {  	[smem:$0x3F9D] =	sst s8  }
0x11: {  	[smem:$0x3F9E] =	sst s9;
	s0 =	simm.s32 @!p0 $0x0  }
0x12: {  	s1 =	sld [smem:$0x3F84];
	s0 =	simm.s32 @p0 $0x1  }
0x13: {  	[smem:$0x3F9F] =	sst s0;
	s0 =	simm.s32 @!p1 $0x0  }
0x14: {  	s2 =	sld [smem:$0x3F83];
	s0 =	simm.s32 @p1 $0x1  }
0x15: {  	[smem:$0x3FA0] =	sst s0;
	s0 =	simm.s32 @!p2 $0x0  }
0x16: {  	s3 =	sld [smem:$0x3FDB];
	s0 =	simm.s32 @p2 $0x1  }
0x17: {  	s4 =	simm.s32 $0x1BF5;
	[smem:$0x3FA2] =	sst s0  }
0x18: {  	s0 =	sld [smem:$0x3F85];
	_ =	swait.ge [sflag:s4], $0x0  }
0x19: {  	s7 =	sld [smem:$0x3F86]  }
0x1a: {  	s8 =	sadd.s32 $0xFFFFE003, lr  }
0x1b: {  	s9 =	sadd.s32 $0xFFFFFEF7, lr;
	s5 =	simm.s32 $0xFFFFFFFF;
	p2 =	slt.u32 s8, $0xFFFFF086  }
0x1c: {  	p1 =	slt.u32 s9, $0xF7A;
	s5 =	simm.s32 @!p2 $0x0  }
0x1d: {  	s5 =	simm.s32 @p1 $0x1;
	p0 =	seq.s32 s7, s2  }
0x1e: {  	s7 =	smul.u32 @!p0 $0xF7A, s2;
	p2 =	seq.s32 @!p0 s5, $0x0  }
0x1f: {  	s9 =	smul.u32 $0xF7A, s1;
	s8 =	simm.s32 @!p0 $0x1BF5;
	p2 =	por !p2, p0  }
0x20: {  	[sflag:s8] =	ssyncset.s32 @!p0 $0xFFFFF086;
	s6 =	sadd.s32 @!p0 s3, s7;
	s7 =	simm.s32 @!p0 $0x108  }
0x21: {  	s3 =	sadd.s32 s3, s9;
	s6 =	sadd.s32 @!p0 $0x88, s6;
	s7 =	simm.s32 @p2 $0x1082  }
0x22: {  	[simem:s7], [sflag:s8] =	dma.local @!p0 [hbm:s6], $0xF7A  }
0x23: {  	s9 =	sor.u32 $0xD0000000, s2;
	s6 =	simm.s32 $0x108;
	_ =	swait.ge @!p0 [sflag:s8], $0x0  }
0x24: {  	s3 =	sadd.s32 $0x88, s3;
	s6 =	simm.s32 @!p1 $0x1082;
	[sflag:s4] =	ssyncset.s32 $0xFFFFF086  }
0x25: {  	[simem:s6], [sflag:s4] =	dma.local [hbm:s3], $0xF7A  }
0x26: {  	[smem:$0x3F86] =	sst s1;
	(tag) =	ssettag s2;
	_ =	strace s9  }
0x27: {  	s1 =	sld [smem:$0x3F96]  }
0x28: {  	s2 =	sld [smem:$0x3F97]  }
0x29: {  	s4 =	sld [smem:$0x3F99]  }
0x2a: {  	p0 =	seq.s32 s5, $0x0;
	s5 =	sld [smem:$0x3F9A]  }
0x2b: {  	s6 =	sld [smem:$0x3F9B]  }
0x2c: {  	s7 =	sld [smem:$0x3F9C]  }
0x2d: {  	s3 =	simm.s32 $0x108;
	s8 =	sld [smem:$0x3F9D]  }
0x2e: {  	s3 =	simm.s32 @!p0 $0x1082;
	s9 =	sld [smem:$0x3F9E]  }
0x2f: {  	lr =	sadd.s32 s0, s3;
	s0 =	sld [smem:$0x3F95]  }
0x30: {  	s3 =	sld [smem:$0x3F98]  }
0x31: {  	[smem:$0x3FA1] =	sst s10  }
0x32: {  	s10 =	sld [smem:$0x3F9F];
	_ =	sdelay $0x3  }
0x33: {  	p0 =	seq.s32 s10, $0x1;
	s10 =	sld [smem:$0x3FA1];
	_ =	sdelay $0x3  }
0x34: {  	[smem:$0x3FA1] =	sst s10  }
0x35: {  	s10 =	sld [smem:$0x3FA0];
	_ =	sdelay $0x3  }
0x36: {  	p1 =	seq.s32 s10, $0x1;
	s10 =	sld [smem:$0x3FA1];
	_ =	sdelay $0x3  }
0x37: {  	[smem:$0x3FA1] =	sst s10  }
0x38: {  	s10 =	sld [smem:$0x3FA2]  }
0x39: {  	_ = 	snop;
	(pc) =	sbr.ind lr, $3  }
0x3a: {  	_ = 	snop  }
0x3b: {  	_ = 	snop  }
0x3c: {  	p2 =	seq.s32 s10, $0x1;
	s10 =	sld [smem:$0x3FA1]  }
0x3d: {  	_ =	shalt  }
0x3e: {  	_ =	shalt  }
0x3f: {  	_ =	shalt  }
0x40: {  	_ =	shalt  }
0x41: {  	_ =	shalt  }
0x42: {  	_ =	shalt  }
0x43: {  	_ =	shalt  }
0x44: {  	_ =	shalt  }
0x45: {  	_ =	shalt  }
0x46: {  	_ =	shalt  }
0x47: {  	_ =	shalt  }
0x48: {  	_ =	shalt  }
0x49: {  	_ =	shalt  }
0x4a: {  	_ =	shalt  }
0x4b: {  	_ =	shalt  }
0x4c: {  	_ =	shalt  }
0x4d: {  	_ =	shalt  }
0x4e: {  	_ =	shalt  }
0x4f: {  	_ =	shalt  }
0x50: {  	_ =	shalt  }
0x51: {  	_ =	shalt  }
0x52: {  	_ =	shalt  }
0x53: {  	_ =	shalt  }
0x54: {  	_ =	shalt  }
0x55: {  	_ =	shalt  }
0x56: {  	_ =	shalt  }
0x57: {  	_ =	shalt  }
0x58: {  	_ =	shalt  }
0x59: {  	_ =	shalt  }
0x5a: {  	_ =	shalt  }
0x5b: {  	_ =	shalt  }
0x5c: {  	_ =	shalt  }
0x5d: {  	_ =	shalt  }
0x5e: {  	_ =	shalt  }
0x5f: {  	_ =	shalt  }
0x60: {  	_ =	shalt  }
0x61: {  	_ =	shalt  }
0x62: {  	_ =	shalt  }
0x63: {  	_ =	shalt  }
0x64: {  	_ =	shalt  }
0x65: {  	_ =	shalt  }
0x66: {  	_ =	shalt  }
0x67: {  	_ =	shalt  }
0x68: {  	_ =	shalt  }
0x69: {  	_ =	shalt  }
0x6a: {  	_ =	shalt  }
0x6b: {  	_ =	shalt  }
0x6c: {  	_ =	shalt  }
0x6d: {  	_ =	shalt  }
0x6e: {  	_ =	shalt  }
0x6f: {  	_ =	shalt  }
0x70: {  	_ =	shalt  }
0x71: {  	_ =	shalt  }
0x72: {  	_ =	shalt  }
0x73: {  	_ =	shalt  }
0x74: {  	_ =	shalt  }
0x75: {  	_ =	shalt  }
0x76: {  	_ =	shalt  }
0x77: {  	_ =	shalt  }
0x78: {  	_ =	shalt  }
0x79: {  	_ =	shalt  }
0x7a: {  	_ =	shalt  }
0x7b: {  	_ =	shalt  }
0x7c: {  	_ =	shalt  }
0x7d: {  	_ =	shalt  }
0x7e: {  	_ =	shalt  }
0x7f: {  	_ =	shalt  }
0x80: {  	_ =	shalt  }
0x81: {  	_ =	shalt  }
0x82: {  	_ =	shalt  }
0x83: {  	_ =	shalt  }
0x84: {  	_ =	shalt  }
0x85: {  	_ =	shalt  }
0x86: {  	_ =	shalt  }
0x87: {  	_ =	shalt  }
.Lfunc_end0:
.L_simem_size_0:
called_computation_lowered:
.L_overlay_start_0:
0x88: {  	s2 =	sld [smem:$0x3FD9]  }
0x89: {  	s3 =	sld [smem:$0x3FFE];
	_ =	sdelay $0x1  }
0x8a: {  	s1 =	srdreg.scid  }
0x8b: {  	s0 =	sand.u32 $0x1, s1  }
0x8c: {  	s16 =	sshll.u32 s0, $0xA;
	s2 =	sadd.s32 s3, s2  }
0x8d: {  	s2 =	sadd.s32 s2, s16  }
0x8e: {  	[smem:$0x3FAD] =	sst s2  }
0x8f: {  	_ = 	snop  }
0x90: {  	(tm) =	ssettm $0x1  }
0x91: {  	s17 =	sld [smem:$0x3FFB];
	_ =	sdelay $0x3  }
0x92: {  	_ =	strace s17  }
0x93: {  	s2 =	sld [smem:$0x3FFC];
	_ =	sdelay $0x3  }
0x94: {  	_ =	strace s2  }
0x95: {  	s2 =	sld [smem:$0x3FFD];
	_ =	sdelay $0x3  }
0x96: {  	_ =	strace s2  }
0x97: {  	_ =	strace $0x8FFFFFFF  }
0x98: {  	s18 =	sld [smem:$0x3FDB];
	_ =	sdelay $0x1  }
0x99: {  	s19 =	simm.s32 $_scs_section_size  }
0x9a: {  	s4 =	simm.s32 $_size__tile_overlayer_lowered;
	s5 =	simm.s32 $_tile_overlayer_lowered  }
0x9b: {  	s22 =	simm.s32 $0x1BFF;
	s21 =	sshll.u32 s5, $0x1;
	s2 =	sadd.s32 s19, s18  }
0x9c: {  	s6 =	simm.s32 $0x0;
	s20 =	sshll.u32 s4, $0x1;
	s4 =	sadd.s32 s21, s2  }
0x9d: {  	[timem:s6], [sflag:s22] =	dma.local [hbm:s4], s20  }
0x9e: {  	_ =	swait.ge [sflag:s22], s20  }
0x9f: {  	s3 =	ssub.s32 $0x0, s20;
	[sflag:s22] =	ssyncset.done $0x0  }
0xa0: {  	[sflag:s22] =	ssyncadd.s32 s3;
	_ =	sdelay $0x1  }
0xa1: {  	s23 =	simm.s32 $0x1B8B  }
0xa2: {  	_ =	swait.ge [sflag:s23], $0x1  }
0xa3: {  	[sflag:s23] =	ssyncset.done $0x0  }
0xa4: {  	s25 =	simm.s32 $0x1B8E;
	s24 =	sld [smem:$0x3FFE];
	[sflag:s23] =	ssyncadd.s32 $0xFFFFFFFF  }
0xa5: {  	s26 =	simm.s32 $execute0_lowered;
	[smem:$0x3FD2] =	sst s25  }
0xa6: {  	s4 =	sshll.u32 s26, $0x1;
	_ =	strace $0x80000049;
	[dreg:$0x1] =	wrdreg $0xFFFFFFFF  }
0xa7: {  	s28 =	simm.s32 $_size_execute0_lowered;
	s2 =	sadd.s32 s2, s4;
	[dreg:$0x0] =	wrdreg $0x0  }
0xa8: {  	s4 =	sshll.u32 s28, $0x1;
	[dreg:$0x2] =	wrdreg s2  }
0xa9: {  	[dreg:$0x3] =	wrdreg s4  }
0xaa: {  	[dreg:$0x4] =	wrdreg $0xC0  }
0xab: {  	_ =	task [dreg:s6], $0x5FFFF  }
0xac: {  	[dreg:$0x1] =	wrdreg $0xFFFFFFFF  }
0xad: {  	[dreg:$0x0] =	wrdreg $0x60  }
0xae: {  	[dreg:$0x2] =	wrdreg s24  }
0xaf: {  	[dreg:$0x3] =	wrdreg $0x140000  }
0xb0: {  	[dreg:$0x4] =	wrdreg $0x9  }
0xb1: {  	_ =	task.clear_ibuf [dreg:s6], $0x5FFFF;
	_ =	strace $0x90000049  }
0xb2: {  	s29 =	simm.s32 $0x9;
	_ =	strace $0x8000004B  }
0xb3: {  	_ =	swait.ge [sflag:s29], $0x1  }
0xb4: {  	[sflag:s29] =	ssyncadd.s32 $0xFFFFFFFF  }
0xb5: {  	_ =	strace $0x9000004B  }
0xb6: {  	_ =	sfence  }
0xb7: {  	s30 =	sld [smem:$0x0];
	_ =	sdelay $0x2  }
0xb8: {  	s31 =	sshll.u32 s1, $0xD;
	s1 =	sshrl.u32 s1, $0x2  }
0xb9: {  	s3 =	sand.u32 $0x4000, s31;
	s1 =	sadd.s32 s1, s30  }
0xba: {  	s0 =	sor.u32 s3, s0;
	s1 =	sshll.u32 s1, $0x11  }
0xbb: {  	s0 =	sor.u32 s1, s0  }
0xbc: {  	s0 =	sadd.s32 $0x8F2B, s0  }
0xbd: {  	[sflag:s0] =	ssyncadd.remote.s32 $0x1  }
0xbe: {  	_ =	sfence.sel $0xFFFF  }
0xbf: {  	[dreg:$0x0] =	wrdreg $0xFFFFFFFF;
	(pc) =	sbr.abs _section_cstart, $3  }
0xc0: {  	[dreg:$0x1] =	wrdreg $0xFFFFFFFF  }
0xc1: {  	_ =	task.clear_ibuf [dreg:s6], $0x2FFFF;
	_ =	strace $0x9FFFFFFF  }
0xc2: {  	(tm) =	ssettm $0x7FFFFFFF  }
0xc3: {  	_ =	shalt  }
tec
execute0_lowered:
.L_overlay_start_1:
0x0: {  	(tag) =	ssettag $0x1  }
0x1: {  	s0 =	rddreg [dreg:$0x0]  }
0x2: {  	s1 =	rddreg [dreg:$0x1];
	s2 =	simm.s32 $0x0  }
0x3: {  	s3 =	srdreg.scid;
	s11 =	stileid.u32;
	s13 =	simm.s32 $0xA0  }
0x4: {  	s14 =	simm.s32 $0xA000;
	s15 =	simm.s32 $0xC800;
	s17 =	simm.s32 $0xF000  }
0x5: {  	s19 =	simm.s32 $0x11800;
	s20 =	simm.s32 $0x1;
	s21 =	simm.s32 $0x5  }
0x6: {  	s22 =	simm.s32 $0x2;
	s23 =	simm.s32 $0x6;
	s25 =	simm.s32 $0x3  }
0x7: {  	s28 =	simm.s32 $0x4;
	s29 =	simm.s32 $0x8;
	s5 =	smul.u32 $0xA00, s11  }
0x8: {  	s31 =	simm.s32 $0x9E20;
	s3 =	sand.u32 $0x1, s3;
	s9 =	smul.u32 $0x9E00, s11  }
0x9: {  	[smem:$0x7FF] =	sst s2;
	s30 =	sshll.u32 s11, $0x6;
	s4 =	smul.u32 $0x13880, s3  }
0xa: {  	_ =	strace $0x8000004A;
	s6 =	smul.u32 $0x13C00, s3;
	s3 =	ssub.s32 $0x2, s3  }
0xb: {  	s11 =	sor.u32 $0x1C09, s30;
	s8 =	sadd.s32 s5, s0;
	s26 =	sshrl.u32 s3, $0x1  }
0xc: {  	s10 =	sadd.s32 s9, s1;
	s16 =	sshrl.u32 s9, $0x3;
	s9 =	simm.s32 $0x9  }
0xd: {  	s7 =	sadd.s32 s4, s0;
	s4 =	sadd.s32 $0xFC00, s0;
	s0 =	sadd.s32 s6, s0  }
0xe: {  	s3 =	ssub.s32 s3, s26;
	s5 =	sadd.s32 $0x5C00, s8;
	s6 =	sadd.s32 $0x35200, s8  }
0xf: {  	s12 =	sshrl.u32 s10, $0x3;
	s26 =	simm.s32 $0x7;
	s10 =	simm.s32 $0x0  }
0x10: {  	s7 =	sadd.s32 $0xB4E00, s7;
	s0 =	sadd.s32 $0xDC000, s0;
	s8 =	smax.u32 s3, $0x1  }
0x11: {  	s3 =	simm.s32 $0x9F60;
	s24 =	sadd.s32 s16, s0;
	s0 =	simm.s32 $0x9EC0  }
.LBB2_1:
0x12: {  	[tilespmem:s2], [sflag:$0x9] =	stream.linear.gather [hbm4b:s5+s2], $0x5000, $0x38;
	[tilespmem:$0x1DE00] =	vst v63  }
0x13: {  	_ =	swait.ge [sflag:s9], $0x5000  }
0x14: {  	[sflag:s9] =	ssyncset.done $0x0  }
0x15: {  	s16 =	simm.s32 $0x5000;
	[sflag:s9] =	ssyncadd.s32 $0xFFFFB000  }
0x16: {  	[tilespmem:s16], [sflag:$0x9] =	stream.linear.gather [hbm4b:s6+s2], $0x5000, $0x38;
	[tilespmem:$0x1DE00] =	vst v63  }
0x17: {  	_ =	swait.ge [sflag:s9], $0x5000  }
0x18: {  	[sflag:s9] =	ssyncset.done $0x0  }
0x19: {  	[sflag:s9] =	ssyncadd.s32 $0xFFFFB000  }
0x1a: {  	[spmem:s12], [sflag:s11] =	dma.local [hbm:s4], $0x13C0  }
0x1b: {  	_ =	swait.ge [sflag:s9], $0x13C0  }
0x1c: {  	[sflag:s9] =	ssyncset.done $0x0  }
0x1d: {  	[sflag:s9] =	ssyncadd.s32 $0xFFFFEC40  }
0x1e: {  	[bflag:$0x0] =	sbarrier.arrive $0xFFFF  }
0x1f: {  	[tilespmem:s14], [sflag:$0x1] =	stream.indirect.gather [hbm4b:s7+s13], $0x40, s2, s13, $0xb8;
	[tilespmem:$0x1DE00] =	vst v63  }
0x20: {  	_ = 	snop  }
0x21: {  	[tilespmem:s15], [sflag:$0x2] =	stream.indirect.gather [hbm4b:s7+s13], $0x40, s13, s13, $0xb8;
	[tilespmem:$0x1DE00] =	vst v63  }
0x22: {  	s30 =	simm.s32 $0x140  }
0x23: {  	[tilespmem:s17], [sflag:$0x3] =	stream.indirect.gather [hbm4b:s7+s13], $0x40, s30, s13, $0xb8;
	[tilespmem:$0x1DE00] =	vst v63  }
0x24: {  	s18 =	simm.s32 $0x1E0  }
0x25: {  	[tilespmem:s19], [sflag:$0x4] =	stream.indirect.gather [hbm4b:s7+s13], $0x40, s18, s13, $0xb8;
	[tilespmem:$0x1DE00] =	vst v63  }
0x26: {  	_ =	swait.ge [sflag:s20], $0x2800  }
0x27: {  	[sflag:s20] =	ssyncset.done $0x0  }
0x28: {  	s30 =	simm.s32 $0x5000;
	[sflag:s20] =	ssyncadd.s32 $0xFFFFD800  }
0x29: {  	[spmem:s1] =	stream.indirect.scatter.add.f32 [tilespmem:s14], [sflag:$0x5], $0x40, s30, s13, $0xb8;
	[tilespmem:$0x1DE00] =	vst v63  }
0x2a: {  	_ =	swait.ge [sflag:s21], $0x2800  }
0x2b: {  	[sflag:s21] =	ssyncset.done $0x0  }
0x2c: {  	s18 =	simm.s32 $0x280;
	[sflag:s21] =	ssyncadd.s32 $0xFFFFD800  }
0x2d: {  	[tilespmem:s14], [sflag:$0x1] =	stream.indirect.gather [hbm4b:s7+s13], $0x40, s18, s13, $0xb8;
	[tilespmem:$0x1DE00] =	vst v63  }
0x2e: {  	_ =	swait.ge [sflag:s22], $0x2800  }
0x2f: {  	[sflag:s22] =	ssyncset.done $0x0  }
0x30: {  	s30 =	simm.s32 $0x50A0;
	[sflag:s22] =	ssyncadd.s32 $0xFFFFD800  }
0x31: {  	[spmem:s1] =	stream.indirect.scatter.add.f32 [tilespmem:s15], [sflag:$0x6], $0x40, s30, s13, $0xb8;
	[tilespmem:$0x1DE00] =	vst v63  }
0x32: {  	_ =	swait.ge [sflag:s23], $0x2800  }
0x33: {  	[sflag:s23] =	ssyncset.done $0x0  }
0x34: {  	s18 =	simm.s32 $0x320;
	[sflag:s23] =	ssyncadd.s32 $0xFFFFD800  }
0x35: {  	[tilespmem:s15], [sflag:$0x2] =	stream.indirect.gather [hbm4b:s7+s13], $0x40, s18, s13, $0xb8;
	[tilespmem:$0x1DE00] =	vst v63  }
0x36: {  	_ =	swait.ge [sflag:s25], $0x2800  }
0x37: {  	[sflag:s25] =	ssyncset.done $0x0  }
0x38: {  	s30 =	simm.s32 $0x5140;
	[sflag:s25] =	ssyncadd.s32 $0xFFFFD800  }
0x39: {  	[spmem:s1] =	stream.indirect.scatter.add.f32 [tilespmem:s17], [sflag:$0x7], $0x40, s30, s13, $0xb8;
	[tilespmem:$0x1DE00] =	vst v63  }
0x3a: {  	_ =	swait.ge [sflag:s26], $0x2800  }
0x3b: {  	[sflag:s26] =	ssyncset.done $0x0  }
0x3c: {  	s18 =	simm.s32 $0x3C0;
	[sflag:s26] =	ssyncadd.s32 $0xFFFFD800  }
0x3d: {  	[tilespmem:s17], [sflag:$0x3] =	stream.indirect.gather [hbm4b:s7+s13], $0x40, s18, s13, $0xb8;
	[tilespmem:$0x1DE00] =	vst v63  }
0x3e: {  	_ =	swait.ge [sflag:s28], $0x2800  }
0x3f: {  	[sflag:s28] =	ssyncset.done $0x0  }
0x40: {  	s30 =	simm.s32 $0x51E0;
	[sflag:s28] =	ssyncadd.s32 $0xFFFFD800  }
0x41: {  	[spmem:s1] =	stream.indirect.scatter.add.f32 [tilespmem:s19], [sflag:$0x8], $0x40, s30, s13, $0xb8;
	[tilespmem:$0x1DE00] =	vst v63  }
0x42: {  	_ =	swait.ge [sflag:s29], $0x2800  }
0x43: {  	[sflag:s29] =	ssyncset.done $0x0  }
0x44: {  	s16 =	simm.s32 $0xA00;
	s18 =	simm.s32 $0x460;
	[sflag:s29] =	ssyncadd.s32 $0xFFFFD800  }
.LBB2_2:
0x45: {  	[tilespmem:s19], [sflag:$0x4] =	stream.indirect.gather [hbm4b:s7+s13], $0x40, s18, s13, $0xb8;
	[tilespmem:$0x1DE00] =	vst v63  }
0x46: {  	s18 =	smov.u32 s16  }
0x47: {  	p0 =	sne.s32 s16, $0x12C00;
	s16 =	sadd.s32 $0xA00, s16;
	_ =	swait.ge [sflag:s20], $0x2800  }
0x48: {  	s18 =	sshra.s32 s18, $0x2;
	[sflag:s20] =	ssyncset.done $0x0  }
0x49: {  	s30 =	sadd.s32 $0x5000, s18;
	[sflag:s20] =	ssyncadd.s32 $0xFFFFD800  }
0x4a: {  	[spmem:s1] =	stream.indirect.scatter.add.f32 [tilespmem:s14], [sflag:$0x5], $0x40, s30, s13, $0xb8;
	[tilespmem:$0x1DE00] =	vst v63  }
0x4b: {  	_ =	swait.ge [sflag:s21], $0x2800  }
0x4c: {  	[sflag:s21] =	ssyncset.done $0x0  }
0x4d: {  	s30 =	sadd.s32 $0x280, s18;
	[sflag:s21] =	ssyncadd.s32 $0xFFFFD800  }
0x4e: {  	[tilespmem:s14], [sflag:$0x1] =	stream.indirect.gather [hbm4b:s7+s13], $0x40, s30, s13, $0xb8;
	[tilespmem:$0x1DE00] =	vst v63  }
0x4f: {  	_ =	swait.ge [sflag:s22], $0x2800  }
0x50: {  	[sflag:s22] =	ssyncset.done $0x0  }
0x51: {  	s30 =	sadd.s32 $0x50A0, s18;
	[sflag:s22] =	ssyncadd.s32 $0xFFFFD800  }
0x52: {  	[spmem:s1] =	stream.indirect.scatter.add.f32 [tilespmem:s15], [sflag:$0x6], $0x40, s30, s13, $0xb8;
	[tilespmem:$0x1DE00] =	vst v63  }
0x53: {  	_ =	swait.ge [sflag:s23], $0x2800  }
0x54: {  	[sflag:s23] =	ssyncset.done $0x0  }
0x55: {  	s30 =	sadd.s32 $0x320, s18;
	[sflag:s23] =	ssyncadd.s32 $0xFFFFD800  }
0x56: {  	[tilespmem:s15], [sflag:$0x2] =	stream.indirect.gather [hbm4b:s7+s13], $0x40, s30, s13, $0xb8;
	[tilespmem:$0x1DE00] =	vst v63  }
0x57: {  	_ =	swait.ge [sflag:s25], $0x2800  }
0x58: {  	[sflag:s25] =	ssyncset.done $0x0  }
0x59: {  	s30 =	sadd.s32 $0x5140, s18;
	[sflag:s25] =	ssyncadd.s32 $0xFFFFD800  }
0x5a: {  	[spmem:s1] =	stream.indirect.scatter.add.f32 [tilespmem:s17], [sflag:$0x7], $0x40, s30, s13, $0xb8;
	[tilespmem:$0x1DE00] =	vst v63  }
0x5b: {  	_ =	swait.ge [sflag:s26], $0x2800  }
0x5c: {  	[sflag:s26] =	ssyncset.done $0x0  }
0x5d: {  	s30 =	sadd.s32 $0x3C0, s18;
	[sflag:s26] =	ssyncadd.s32 $0xFFFFD800  }
0x5e: {  	[tilespmem:s17], [sflag:$0x3] =	stream.indirect.gather [hbm4b:s7+s13], $0x40, s30, s13, $0xb8;
	[tilespmem:$0x1DE00] =	vst v63  }
0x5f: {  	_ =	swait.ge [sflag:s28], $0x2800  }
0x60: {  	[sflag:s28] =	ssyncset.done $0x0  }
.Ltmp0:
0x61: {  	s30 =	sadd.s32 $0x51E0, s18;
	[sflag:s28] =	ssyncadd.s32 $0xFFFFD800;
	(pc) =	sbr.rel @p0 .LBB2_2-.Ltmp0, $4  }
0x62: {  	[spmem:s1] =	stream.indirect.scatter.add.f32 [tilespmem:s19], [sflag:$0x8], $0x40, s30, s13, $0xb8;
	[tilespmem:$0x1DE00] =	vst v63  }
0x63: {  	_ =	swait.ge [sflag:s29], $0x2800  }
0x64: {  	[sflag:s29] =	ssyncset.done $0x0  }
0x65: {  	s18 =	sadd.s32 $0x460, s18;
	[sflag:s29] =	ssyncadd.s32 $0xFFFFD800  }
0x66: {  	[tilespmem:s19], [sflag:$0x4] =	stream.indirect.gather [hbm4b:s7+s13], $0x40, s18, s13, $0xb8;
	[tilespmem:$0x1DE00] =	vst v63  }
0x67: {  	_ =	swait.ge [sflag:s20], $0x2800  }
0x68: {  	[sflag:s20] =	ssyncset.done $0x0  }
0x69: {  	s16 =	simm.s32 $0x9D80;
	[sflag:s20] =	ssyncadd.s32 $0xFFFFD800  }
0x6a: {  	[spmem:s1] =	stream.indirect.scatter.add.f32 [tilespmem:s14], [sflag:$0x5], $0x40, s16, s13, $0xb8;
	[tilespmem:$0x1DE00] =	vst v63  }
0x6b: {  	_ =	swait.ge [sflag:s22], $0x2800  }
0x6c: {  	[sflag:s22] =	ssyncset.done $0x0  }
0x6d: {  	[sflag:s22] =	ssyncadd.s32 $0xFFFFD800  }
0x6e: {  	[spmem:s1] =	stream.indirect.scatter.add.f32 [tilespmem:s15], [sflag:$0x6], $0x40, s31, s13, $0xb8;
	[tilespmem:$0x1DE00] =	vst v63  }
0x6f: {  	_ =	swait.ge [sflag:s25], $0x2800  }
0x70: {  	[sflag:s25] =	ssyncset.done $0x0  }
0x71: {  	[sflag:s25] =	ssyncadd.s32 $0xFFFFD800  }
0x72: {  	[spmem:s1] =	stream.indirect.scatter.add.f32 [tilespmem:s17], [sflag:$0x7], $0x40, s0, s13, $0xb8;
	[tilespmem:$0x1DE00] =	vst v63  }
0x73: {  	_ =	swait.ge [sflag:s28], $0x2800  }
0x74: {  	[sflag:s28] =	ssyncset.done $0x0  }
0x75: {  	[sflag:s28] =	ssyncadd.s32 $0xFFFFD800  }
0x76: {  	[spmem:s1] =	stream.indirect.scatter.add.f32 [tilespmem:s19], [sflag:$0x8], $0x40, s3, s13, $0xb8;
	[tilespmem:$0x1DE00] =	vst v63  }
0x77: {  	_ =	swait.ge [sflag:s21], $0x2800  }
0x78: {  	[sflag:s21] =	ssyncset.done $0x0  }
0x79: {  	[sflag:s21] =	ssyncadd.s32 $0xFFFFD800  }
0x7a: {  	_ =	swait.ge [sflag:s23], $0x2800  }
0x7b: {  	[sflag:s23] =	ssyncset.done $0x0  }
0x7c: {  	[sflag:s23] =	ssyncadd.s32 $0xFFFFD800  }
0x7d: {  	_ =	swait.ge [sflag:s26], $0x2800  }
0x7e: {  	[sflag:s26] =	ssyncset.done $0x0  }
0x7f: {  	[sflag:s26] =	ssyncadd.s32 $0xFFFFD800  }
0x80: {  	_ =	swait.ge [sflag:s29], $0x2800  }
0x81: {  	s10 =	sadd.s32 $0x1, s10;
	[sflag:s29] =	ssyncset.done $0x0  }
0x82: {  	p0 =	sne.s32 s10, s8;
	[sflag:s29] =	ssyncadd.s32 $0xFFFFD800  }
.Ltmp1:
0x83: {  	[bflag:$0x0] =	sbarrier.arrive $0xFFFF;
	(pc) =	sbr.rel @p0 .LBB2_1-.Ltmp1, $4  }
0x84: {  	[hbm:s24], [sflag:s11] =	dma.local [spmem:s12], $0x13C0  }
0x85: {  	_ =	swait.ge [sflag:s9], $0x13C0  }
0x86: {  	[sflag:s9] =	ssyncset.done $0x0  }
0x87: {  	[sflag:s9] =	ssyncadd.s32 $0xFFFFEC40  }
0x88: {  	_ =	sfence.sel $0x180000  }
0x89: {  	[bflag:$0x0] =	sbarrier.arrive $0xFFFF  }
0x8a: {  	_ =	strace $0x9000004A  }
0x8b: {  	s0 =	stileid.u32;
	[bflag:$0x2] =	sbarrier.arrive $0xFFFF  }
0x8c: {  	p0 =	sne.s32 s0, $0x0;
	s0 =	rddreg [dreg:$0x2]  }
0x8d: {  	s0 =	sadd.s32 @!p0 $0x100000, s0  }
0x8e: {  	[sflag:s0] =	ssyncadd.tile.s32 @!p0 $0x1;
	_ =	shalt  }
.Lfunc_end2:
_tile_overlayer_lowered:
.L_overlay_start_2:
0x8f: {  	(tag) =	ssettag $0x2  }
0x90: {  	s0 =	rddreg [dreg:$0x0];
	s2 =	stileid.u32  }
0x91: {  	s1 =	rddreg [dreg:$0x1];
	p0 =	sne.s32 s2, $0x0  }
0x92: {  	s3 =	rddreg [dreg:$0x2];
	[bflag:$0x3] =	sbarrier.arrive $0xFFFF;
	s2 =	simm.s32 @!p0 $0x1C09  }
0x93: {  	[timem:s3], [sflag:s2] =	dma.local @!p0 [hbm:s0], s1  }
0x94: {  	s0 =	simm.s32 @!p0 $0x9  }
0x95: {  	_ =	swait.ge @!p0 [sflag:s0], s1  }
0x96: {  	s1 =	ssub.s32 @!p0 $0x0, s1;
	[sflag:s0] =	ssyncset.done @!p0 $0x0  }
0x97: {  	[sflag:s0] =	ssyncadd.s32 @!p0 s1  }
0x98: {  	[bflag:$0x3] =	sbarrier.arrive $0xFFFF  }
0x99: {  	_ =	shalt  }

// kernel: kernel.4.cloned.1.call-start
scs
__scs_entry_jumppad:
0x0: {  	(pc) =	sbr.rel $0x88, $3  }
0x1: {  	(tag) =	ssettag $0x0;
	lr =	simm.s32 $0x1  }
0x2: {  	[smem:$0x3F86] =	sst lr;
	_ =	strace $0xD0000000  }
0x3: {  	_ = 	snop  }
0x4: {  	_ = 	snop  }
0x5: {  	_ = 	snop  }
0x6: {  	_ = 	snop  }
0x7: {  	_ = 	snop  }
__scs_overlays_trampoline_lowered:
0x8: {  	[smem:$0x3F95] =	sst s0  }
0x9: {  	[smem:$0x3F96] =	sst s1  }
0xa: {  	[smem:$0x3F97] =	sst s2  }
0xb: {  	[smem:$0x3F98] =	sst s3  }
0xc: {  	[smem:$0x3F99] =	sst s4  }
0xd: {  	[smem:$0x3F9A] =	sst s5  }
0xe: {  	[smem:$0x3F9B] =	sst s6  }
0xf: {  	[smem:$0x3F9C] =	sst s7  }
0x10: {  	[smem:$0x3F9D] =	sst s8  }
0x11: {  	[smem:$0x3F9E] =	sst s9;
	s0 =	simm.s32 @!p0 $0x0  }
0x12: {  	s1 =	sld [smem:$0x3F84];
	s0 =	simm.s32 @p0 $0x1  }
0x13: {  	[smem:$0x3F9F] =	sst s0;
	s0 =	simm.s32 @!p1 $0x0  }
0x14: {  	s2 =	sld [smem:$0x3F83];
	s0 =	simm.s32 @p1 $0x1  }
0x15: {  	[smem:$0x3FA0] =	sst s0;
	s0 =	simm.s32 @!p2 $0x0  }
0x16: {  	s3 =	sld [smem:$0x3FDB];
	s0 =	simm.s32 @p2 $0x1  }
0x17: {  	s4 =	simm.s32 $0x1BF5;
	[smem:$0x3FA2] =	sst s0  }
0x18: {  	s0 =	sld [smem:$0x3F85];
	_ =	swait.ge [sflag:s4], $0x0  }
0x19: {  	s7 =	sld [smem:$0x3F86]  }
0x1a: {  	s8 =	sadd.s32 $0xFFFFE003, lr  }
0x1b: {  	s9 =	sadd.s32 $0xFFFFFEF7, lr;
	s5 =	simm.s32 $0xFFFFFFFF;
	p2 =	slt.u32 s8, $0xFFFFF086  }
0x1c: {  	p1 =	slt.u32 s9, $0xF7A;
	s5 =	simm.s32 @!p2 $0x0  }
0x1d: {  	s5 =	simm.s32 @p1 $0x1;
	p0 =	seq.s32 s7, s2  }
0x1e: {  	s7 =	smul.u32 @!p0 $0xF7A, s2;
	p2 =	seq.s32 @!p0 s5, $0x0  }
0x1f: {  	s9 =	smul.u32 $0xF7A, s1;
	s8 =	simm.s32 @!p0 $0x1BF5;
	p2 =	por !p2, p0  }
0x20: {  	[sflag:s8] =	ssyncset.s32 @!p0 $0xFFFFF086;
	s6 =	sadd.s32 @!p0 s3, s7;
	s7 =	simm.s32 @!p0 $0x108  }
0x21: {  	s3 =	sadd.s32 s3, s9;
	s6 =	sadd.s32 @!p0 $0x88, s6;
	s7 =	simm.s32 @p2 $0x1082  }
0x22: {  	[simem:s7], [sflag:s8] =	dma.local @!p0 [hbm:s6], $0xF7A  }
0x23: {  	s9 =	sor.u32 $0xD0000000, s2;
	s6 =	simm.s32 $0x108;
	_ =	swait.ge @!p0 [sflag:s8], $0x0  }
0x24: {  	s3 =	sadd.s32 $0x88, s3;
	s6 =	simm.s32 @!p1 $0x1082;
	[sflag:s4] =	ssyncset.s32 $0xFFFFF086  }
0x25: {  	[simem:s6], [sflag:s4] =	dma.local [hbm:s3], $0xF7A  }
0x26: {  	[smem:$0x3F86] =	sst s1;
	(tag) =	ssettag s2;
	_ =	strace s9  }
0x27: {  	s1 =	sld [smem:$0x3F96]  }
0x28: {  	s2 =	sld [smem:$0x3F97]  }
0x29: {  	s4 =	sld [smem:$0x3F99]  }
0x2a: {  	p0 =	seq.s32 s5, $0x0;
	s5 =	sld [smem:$0x3F9A]  }
0x2b: {  	s6 =	sld [smem:$0x3F9B]  }
0x2c: {  	s7 =	sld [smem:$0x3F9C]  }
0x2d: {  	s3 =	simm.s32 $0x108;
	s8 =	sld [smem:$0x3F9D]  }
0x2e: {  	s3 =	simm.s32 @!p0 $0x1082;
	s9 =	sld [smem:$0x3F9E]  }
0x2f: {  	lr =	sadd.s32 s0, s3;
	s0 =	sld [smem:$0x3F95]  }
0x30: {  	s3 =	sld [smem:$0x3F98]  }
0x31: {  	[smem:$0x3FA1] =	sst s10  }
0x32: {  	s10 =	sld [smem:$0x3F9F];
	_ =	sdelay $0x3  }
0x33: {  	p0 =	seq.s32 s10, $0x1;
	s10 =	sld [smem:$0x3FA1];
	_ =	sdelay $0x3  }
0x34: {  	[smem:$0x3FA1] =	sst s10  }
0x35: {  	s10 =	sld [smem:$0x3FA0];
	_ =	sdelay $0x3  }
0x36: {  	p1 =	seq.s32 s10, $0x1;
	s10 =	sld [smem:$0x3FA1];
	_ =	sdelay $0x3  }
0x37: {  	[smem:$0x3FA1] =	sst s10  }
0x38: {  	s10 =	sld [smem:$0x3FA2]  }
0x39: {  	_ = 	snop;
	(pc) =	sbr.ind lr, $3  }
0x3a: {  	_ = 	snop  }
0x3b: {  	_ = 	snop  }
0x3c: {  	p2 =	seq.s32 s10, $0x1;
	s10 =	sld [smem:$0x3FA1]  }
0x3d: {  	_ =	shalt  }
0x3e: {  	_ =	shalt  }
0x3f: {  	_ =	shalt  }
0x40: {  	_ =	shalt  }
0x41: {  	_ =	shalt  }
0x42: {  	_ =	shalt  }
0x43: {  	_ =	shalt  }
0x44: {  	_ =	shalt  }
0x45: {  	_ =	shalt  }
0x46: {  	_ =	shalt  }
0x47: {  	_ =	shalt  }
0x48: {  	_ =	shalt  }
0x49: {  	_ =	shalt  }
0x4a: {  	_ =	shalt  }
0x4b: {  	_ =	shalt  }
0x4c: {  	_ =	shalt  }
0x4d: {  	_ =	shalt  }
0x4e: {  	_ =	shalt  }
0x4f: {  	_ =	shalt  }
0x50: {  	_ =	shalt  }
0x51: {  	_ =	shalt  }
0x52: {  	_ =	shalt  }
0x53: {  	_ =	shalt  }
0x54: {  	_ =	shalt  }
0x55: {  	_ =	shalt  }
0x56: {  	_ =	shalt  }
0x57: {  	_ =	shalt  }
0x58: {  	_ =	shalt  }
0x59: {  	_ =	shalt  }
0x5a: {  	_ =	shalt  }
0x5b: {  	_ =	shalt  }
0x5c: {  	_ =	shalt  }
0x5d: {  	_ =	shalt  }
0x5e: {  	_ =	shalt  }
0x5f: {  	_ =	shalt  }
0x60: {  	_ =	shalt  }
0x61: {  	_ =	shalt  }
0x62: {  	_ =	shalt  }
0x63: {  	_ =	shalt  }
0x64: {  	_ =	shalt  }
0x65: {  	_ =	shalt  }
0x66: {  	_ =	shalt  }
0x67: {  	_ =	shalt  }
0x68: {  	_ =	shalt  }
0x69: {  	_ =	shalt  }
0x6a: {  	_ =	shalt  }
0x6b: {  	_ =	shalt  }
0x6c: {  	_ =	shalt  }
0x6d: {  	_ =	shalt  }
0x6e: {  	_ =	shalt  }
0x6f: {  	_ =	shalt  }
0x70: {  	_ =	shalt  }
0x71: {  	_ =	shalt  }
0x72: {  	_ =	shalt  }
0x73: {  	_ =	shalt  }
0x74: {  	_ =	shalt  }
0x75: {  	_ =	shalt  }
0x76: {  	_ =	shalt  }
0x77: {  	_ =	shalt  }
0x78: {  	_ =	shalt  }
0x79: {  	_ =	shalt  }
0x7a: {  	_ =	shalt  }
0x7b: {  	_ =	shalt  }
0x7c: {  	_ =	shalt  }
0x7d: {  	_ =	shalt  }
0x7e: {  	_ =	shalt  }
0x7f: {  	_ =	shalt  }
0x80: {  	_ =	shalt  }
0x81: {  	_ =	shalt  }
0x82: {  	_ =	shalt  }
0x83: {  	_ =	shalt  }
0x84: {  	_ =	shalt  }
0x85: {  	_ =	shalt  }
0x86: {  	_ =	shalt  }
0x87: {  	_ =	shalt  }
.Lfunc_end0:
.L_simem_size_0:
called_computation.1_lowered:
.L_overlay_start_0:
0x88: {  	s2 =	sld [smem:$0x3FD9]  }
0x89: {  	s3 =	sld [smem:$0x3FFE];
	_ =	sdelay $0x1  }
0x8a: {  	s1 =	srdreg.scid  }
0x8b: {  	s0 =	sand.u32 $0x1, s1  }
0x8c: {  	s17 =	sshll.u32 s0, $0xA;
	s2 =	sadd.s32 s3, s2  }
0x8d: {  	s2 =	sadd.s32 s2, s17  }
0x8e: {  	[smem:$0x3FAD] =	sst s2  }
0x8f: {  	_ = 	snop  }
0x90: {  	s2 =	sld [smem:$0x3FD0];
	(tm) =	ssettm $0x1  }
0x91: {  	s18 =	sld [smem:$0x3FFB];
	_ =	sdelay $0x3  }
0x92: {  	_ =	strace s18  }
0x93: {  	s3 =	sld [smem:$0x3FFC];
	_ =	sdelay $0x3  }
0x94: {  	_ =	strace s3  }
0x95: {  	s3 =	sld [smem:$0x3FFD];
	_ =	sdelay $0x3  }
0x96: {  	_ =	strace s3  }
0x97: {  	_ =	strace $0x8FFFFFFF  }
0x98: {  	s19 =	sld [smem:$0x3FDB];
	_ =	sdelay $0x1  }
0x99: {  	s4 =	simm.s32 $_scs_section_size  }
0x9a: {  	s5 =	simm.s32 $_size__tile_overlayer_lowered;
	s6 =	simm.s32 $_tile_overlayer_lowered  }
0x9b: {  	s22 =	simm.s32 $0x1BFF;
	s21 =	sshll.u32 s6, $0x1;
	s3 =	sadd.s32 s4, s19  }
0x9c: {  	s7 =	simm.s32 $0x0;
	s20 =	sshll.u32 s5, $0x1;
	s5 =	sadd.s32 s21, s3  }
0x9d: {  	[timem:s7], [sflag:s22] =	dma.local [hbm:s5], s20  }
0x9e: {  	_ =	swait.ge [sflag:s22], s20  }
0x9f: {  	s4 =	ssub.s32 $0x0, s20;
	[sflag:s22] =	ssyncset.done $0x0  }
0xa0: {  	[sflag:s22] =	ssyncadd.s32 s4;
	_ =	sdelay $0x1  }
0xa1: {  	s23 =	simm.s32 $0x1B8B  }
0xa2: {  	_ =	swait.ge [sflag:s23], $0x1  }
0xa3: {  	[sflag:s23] =	ssyncset.done $0x0  }
0xa4: {  	s25 =	simm.s32 $0x1B8E;
	s24 =	sld [smem:$0x3FFE];
	[sflag:s23] =	ssyncadd.s32 $0xFFFFFFFF  }
0xa5: {  	s26 =	simm.s32 $execute0_lowered;
	[smem:$0x3FD2] =	sst s25  }
0xa6: {  	s5 =	sshll.u32 s26, $0x1;
	_ =	strace $0x80000046;
	[dreg:$0x1] =	wrdreg $0xFFFFFFFF  }
0xa7: {  	s28 =	simm.s32 $_size_execute0_lowered;
	s3 =	sadd.s32 s3, s5;
	[dreg:$0x0] =	wrdreg $0x0  }
0xa8: {  	s5 =	sshll.u32 s28, $0x1;
	[dreg:$0x2] =	wrdreg s3  }
0xa9: {  	[dreg:$0x3] =	wrdreg s5  }
0xaa: {  	[dreg:$0x4] =	wrdreg $0xC0  }
0xab: {  	_ =	task [dreg:s7], $0x5FFFF  }
0xac: {  	[dreg:$0x1] =	wrdreg $0xFFFFFFFF  }
0xad: {  	[dreg:$0x0] =	wrdreg $0x60  }
0xae: {  	[dreg:$0x2] =	wrdreg s24  }
0xaf: {  	[dreg:$0x3] =	wrdreg s2  }
0xb0: {  	[dreg:$0x4] =	wrdreg $0x2C000  }
0xb1: {  	[dreg:$0x5] =	wrdreg $0x9  }
0xb2: {  	_ =	task.clear_ibuf [dreg:s7], $0x6FFFF;
	_ =	strace $0x90000046  }
0xb3: {  	s29 =	simm.s32 $0x9;
	_ =	strace $0x80000048  }
0xb4: {  	_ =	swait.ge [sflag:s29], $0x1  }
0xb5: {  	[sflag:s29] =	ssyncadd.s32 $0xFFFFFFFF  }
0xb6: {  	_ =	strace $0x90000048  }
0xb7: {  	_ =	sfence  }
0xb8: {  	s30 =	sld [smem:$0x0];
	_ =	sdelay $0x2  }
0xb9: {  	s31 =	sshll.u32 s1, $0xD;
	s1 =	sshrl.u32 s1, $0x2  }
0xba: {  	s3 =	sand.u32 $0x4000, s31;
	s1 =	sadd.s32 s1, s30  }
0xbb: {  	s0 =	sor.u32 s3, s0;
	s1 =	sshll.u32 s1, $0x11  }
0xbc: {  	s0 =	sor.u32 s1, s0  }
0xbd: {  	s0 =	sadd.s32 $0x8F2B, s0  }
0xbe: {  	[sflag:s0] =	ssyncadd.remote.s32 $0x1  }
0xbf: {  	_ =	sfence.sel $0xFFFF  }
0xc0: {  	[dreg:$0x0] =	wrdreg $0xFFFFFFFF;
	(pc) =	sbr.abs _section_cstart, $3  }
0xc1: {  	[dreg:$0x1] =	wrdreg $0xFFFFFFFF  }
0xc2: {  	_ =	task.clear_ibuf [dreg:s7], $0x2FFFF;
	_ =	strace $0x9FFFFFFF  }
0xc3: {  	(tm) =	ssettm $0x7FFFFFFF  }
tec
execute0_lowered:
.L_overlay_start_1:
0x0: {  	(tag) =	ssettag $0x1  }
0x1: {  	s6 =	rddreg [dreg:$0x0]  }
0x2: {  	s2 =	rddreg [dreg:$0x1]  }
0x3: {  	s0 =	srdreg.scid;
	s3 =	rddreg [dreg:$0x2]  }
0x4: {  	s4 =	simm.s32 $0x0;
	s5 =	sand.u32 $0x1, s0;
	s0 =	rddreg [dreg:$0x3]  }
0x5: {  	s1 =	stileid.u32;
	s12 =	simm.s32 $0x80;
	[smem:$0x7FF] =	sst s4  }
0x6: {  	s11 =	smul.u32 $0x13C0, s1;
	s31 =	sshll.u32 s1, $0x6;
	s7 =	sshll.u32 s5, $0x4  }
0x7: {  	_ =	strace $0x80000047;
	s8 =	smul.u32 $0x2780, s5;
	s9 =	ssub.s32 $0x2, s5  }
0x8: {  	s5 =	sadd.s32 $0xFC00, s6;
	s7 =	sor.u32 s1, s7;
	s10 =	sshrl.u32 s9, $0x1  }
0x9: {  	s30 =	sadd.s32 s11, s3;
	s14 =	sshrl.u32 s11, $0x3;
	s11 =	simm.s32 $0x2800  }
0xa: {  	s7 =	smul.u32 $0x500, s7;
	s8 =	sadd.s32 s8, s6;
	s9 =	ssub.s32 s9, s10  }
0xb: {  	s10 =	sshrl.u32 s30, $0x3;
	s13 =	sadd.s32 $0x10000, s8;
	s8 =	simm.s32 $0x1  }
0xc: {  	s7 =	sadd.s32 s7, s6;
	s13 =	sadd.s32 s14, s13;
	s14 =	simm.s32 $0x0  }
0xd: {  	s6 =	sadd.s32 $0x5C00, s7;
	s7 =	smax.u32 s9, $0x1;
	s9 =	sor.u32 $0x1C01, s31  }
.LBB2_1:
0xe: {  	[tilespmem:s4], [sflag:$0x1] =	stream.linear.gather [hbm4b:s6+s4], $0x2800, $0x38;
	[tilespmem:$0x3FC0] =	vst v63  }
0xf: {  	_ =	swait.ge [sflag:s8], $0x2800  }
0x10: {  	[sflag:s8] =	ssyncset.done $0x0  }
0x11: {  	[sflag:s8] =	ssyncadd.s32 $0xFFFFD800  }
0x12: {  	[spmem:s10], [sflag:s9] =	dma.local [hbm:s5], $0x278  }
0x13: {  	_ =	swait.ge [sflag:s8], $0x278  }
0x14: {  	[sflag:s8] =	ssyncset.done $0x0  }
0x15: {  	[sflag:s8] =	ssyncadd.s32 $0xFFFFFD88  }
0x16: {  	[tilespmem:s11], [sflag:$0x1] =	stream.linear.gather [hbm4b:s2+s4], $0x400, $0x38;
	[tilespmem:$0x3FC0] =	vst v63  }
0x17: {  	_ =	swait.ge [sflag:s8], $0x400  }
0x18: {  	[sflag:s8] =	ssyncset.done $0x0  }
0x19: {  	[sflag:s8] =	ssyncadd.s32 $0xFFFFFC00  }
0x1a: {  	s15 =	simm.s32 $0x0;
	[bflag:$0x0] =	sbarrier.arrive $0xFFFF  }
0x1b: {  	[spmem:s3] =	stream.indirect.scatter.add.f32 [tilespmem:s11], [sflag:$0x1], $0x8, s15, s12, $0xb8;
	[tilespmem:$0x3FC0] =	vst v63  }
0x1c: {  	_ =	swait.ge [sflag:s8], $0x400  }
0x1d: {  	s15 =	simm.s32 $0x200;
	[sflag:s8] =	ssyncset.done $0x0  }
.LBB2_2:
0x1e: {  	s16 =	sshra.s32 s15, $0x2;
	[sflag:s8] =	ssyncadd.s32 $0xFFFFFC00;
	p0 =	sne.s32 s15, $0x9E00  }
0x1f: {  	[spmem:s3] =	stream.indirect.scatter.add.f32 [tilespmem:s11], [sflag:$0x1], $0x8, s16, s12, $0xb8;
	[tilespmem:$0x3FC0] =	vst v63  }
.Ltmp0:
0x20: {  	_ = 	snop;
	(pc) =	sbr.rel @p0 .LBB2_2-.Ltmp0, $4  }
0x21: {  	_ = 	snop  }
0x22: {  	s15 =	sadd.s32 $0x200, s15  }
0x23: {  	_ =	swait.ge [sflag:s8], $0x400  }
0x24: {  	[sflag:s8] =	ssyncset.done $0x0  }
0x25: {  	s14 =	sadd.s32 $0x1, s14  }
0x26: {  	[sflag:s8] =	ssyncadd.s32 $0xFFFFFC00;
	p0 =	sne.s32 s14, s7  }
.Ltmp1:
0x27: {  	[bflag:$0x0] =	sbarrier.arrive $0xFFFF;
	(pc) =	sbr.rel @p0 .LBB2_1-.Ltmp1, $4  }
0x28: {  	[hbm:s13], [sflag:s9] =	dma.local [spmem:s10], $0x278  }
0x29: {  	_ =	swait.ge [sflag:s8], $0x278  }
0x2a: {  	[sflag:s8] =	ssyncset.done $0x0  }
0x2b: {  	[sflag:s8] =	ssyncadd.s32 $0xFFFFFD88  }
0x2c: {  	_ =	sfence.sel $0x180000  }
0x2d: {  	[bflag:$0x0] =	sbarrier.arrive $0xFFFF  }
0x2e: {  	p0 =	sne.s32 s1, $0x0;
	_ =	strace $0x90000047  }
0x2f: {  	s0 =	sadd.s32 @!p0 $0x100000, s0;
	[bflag:$0x2] =	sbarrier.arrive $0xFFFF  }
0x30: {  	[sflag:s0] =	ssyncadd.tile.s32 @!p0 $0x1;
	_ =	shalt  }
.Lfunc_end2:
_tile_overlayer_lowered:
.L_overlay_start_2:
0x31: {  	(tag) =	ssettag $0x2  }
0x32: {  	s0 =	rddreg [dreg:$0x0];
	s2 =	stileid.u32  }
0x33: {  	s1 =	rddreg [dreg:$0x1];
	p0 =	sne.s32 s2, $0x0  }
0x34: {  	s3 =	rddreg [dreg:$0x2];
	[bflag:$0x3] =	sbarrier.arrive $0xFFFF;
	s2 =	simm.s32 @!p0 $0x1C01  }
0x35: {  	[timem:s3], [sflag:s2] =	dma.local @!p0 [hbm:s0], s1  }
0x36: {  	s0 =	simm.s32 @!p0 $0x1  }
0x37: {  	_ =	swait.ge @!p0 [sflag:s0], s1  }
0x38: {  	s1 =	ssub.s32 @!p0 $0x0, s1;
	[sflag:s0] =	ssyncset.done @!p0 $0x0  }
0x39: {  	[sflag:s0] =	ssyncadd.s32 @!p0 s1  }
0x3a: {  	[bflag:$0x3] =	sbarrier.arrive $0xFFFF  }
0x3b: {  	_ =	shalt  }

</sc_bundles>
